<compile_context>
chip_gen: v7x
topology: tpu7x:2x2x1
jax: 0.10.2.dev20260603
libtpu: 0.0.44.dev20260713+nightly
codegen_flags: <defaults>
</compile_context>

<pallas_src>
import functools
import jax
import jax.numpy as jnp
from jax import lax
from jax.experimental import pallas as pl
from jax.experimental.pallas import tpu as pltpu
from jax.experimental.pallas import tpu_sc as plsc

_N_PATCHES = 16
_CH = 8
_NBUF = 4


@functools.lru_cache(maxsize=None)
def _make_sc_kernel(R, D, S):
    info = plsc.get_sparse_core_info()
    NC, NS, L = info.num_cores, info.num_subcores, info.num_lanes
    NW = NC * NS
    rows_w = R // NW
    rpp = S // _N_PATCHES
    ppw = rows_w // rpp
    wpb = S // rows_w
    nchunks = rows_w // _CH
    cpp = rpp // _CH
    cols = D // L

    mesh = plsc.VectorSubcoreMesh(core_axis_name="c", subcore_axis_name="s")

    @functools.partial(
        pl.kernel,
        out_type=jax.ShapeDtypeStruct((R, D), jnp.float32),
        mesh=mesh,
        scratch_types=[
            pltpu.VMEM((_N_PATCHES, D), jnp.float32),
            [pltpu.VMEM((_CH, D), jnp.float32)] * _NBUF,
            [pltpu.SemaphoreType.DMA] * _NBUF,
            [pltpu.SemaphoreType.DMA] * _NBUF,
        ],
        compiler_params=pltpu.CompilerParams(use_tc_tiling_on_sc=True),
    )
    def sc_k(vf_hbm, w_hbm, out_hbm, w_buf, bufs, sins, souts):
        cid = lax.axis_index("c")
        sid = lax.axis_index("s")
        wid = sid * NC + cid
        row0 = wid * rows_w
        p0 = (wid % wpb) * ppw

        def issue_gather(g, b):
            rs = row0 + g * _CH
            pltpu.async_copy(vf_hbm.at[pl.ds(rs, _CH)], bufs[b], sins[b])

        def issue_scatter(g, b):
            rs = row0 + g * _CH
            pltpu.async_copy(bufs[b], out_hbm.at[pl.ds(rs, _CH)], souts[b])

        def wait_in(b):
            pltpu.make_async_copy(vf_hbm.at[pl.ds(0, _CH)], bufs[b], sins[b]).wait()

        def wait_out(b):
            pltpu.make_async_copy(bufs[b], out_hbm.at[pl.ds(0, _CH)], souts[b]).wait()

        issue_gather(0, 0)
        issue_gather(1, 1)
        pltpu.sync_copy(w_hbm.at[pl.ds(0, _N_PATCHES)], w_buf)

        def quad(t, carry):
            for b in range(_NBUF):
                j = t * _NBUF + b
                wait_in(b)

                p = p0 + j // cpp

                @plsc.parallel_loop(0, cols, 1, unroll=4)
                def col(c):
                    wv = w_buf[p, pl.ds(c * L, L)]
                    for r in range(_CH):
                        plsc.addupdate(bufs[b].at[r, pl.ds(c * L, L)], wv)
                issue_scatter(j, b)

                bn = (b + 2) % _NBUF

                @pl.when(j >= 2)
                def _():
                    wait_out(bn)

                @pl.when(j + 2 < nchunks)
                def _():
                    issue_gather(j + 2, bn)

            return carry

        lax.fori_loop(0, nchunks // _NBUF, quad, 0)
        wait_out((nchunks - 2) % _NBUF)
        wait_out((nchunks - 1) % _NBUF)

    return sc_k


def kernel(vision_features, W):
    B, S, D = vision_features.shape
    R = B * S
    vf = vision_features.reshape(R, D)
    sc_k = _make_sc_kernel(R, D, S)
    out = sc_k(vf, W)
    return out.reshape(B, S, D)

# --- scband reference (transcript-rebuilt; emitter-appended) ---
"""Pipeline reference for scband-position-58342835749374 (READ-ONLY COPY).

The authoritative reference and input builder live on the scoring server;
editing this copy changes nothing except your own understanding.
"""

import jax, jax.numpy as jnp
import numpy as np

N_PATCHES = 16
DIM = 2048
MAX_PATCHES = 21  # max(LEVELS_TO_PATCHES.values())
BATCH = 4
SEQ_LEN = 4096


def setup_inputs(seed: int = 0) -> dict:
    key = jax.random.key(seed)
    k1, k2 = jax.random.split(key)
    vision_features = jax.random.normal(k1, (BATCH, SEQ_LEN, DIM), dtype=jnp.float32)
    # learned embedding table, init normal(0, 0.02) as in _init_weights
    W = jax.random.normal(k2, (MAX_PATCHES, DIM), dtype=jnp.float32) * 0.02
    return {"vision_features": vision_features, "W": W}


def reference(vision_features, W):
    batch_size, seq_len, dim = vision_features.shape
    single_encoder_dim = seq_len // N_PATCHES
    pos_idx = jnp.arange(N_PATCHES)
    # embedding lookup: gather rows of the table
    emb = jnp.take(W, pos_idx, axis=0)  # [n_patches, dim]
    # torch.repeat_interleave along dim=1 (after unsqueeze(0)) == jnp.repeat along axis 0
    pos = jnp.repeat(emb, single_encoder_dim, axis=0)  # [seq_len, dim]
    pos = pos[None, :, :]  # [1, seq_len, dim]; expand via broadcasting
    return vision_features + pos

if __name__ == "__main__":
    import jax
    _d = setup_inputs()
    print(jax.jit(kernel)(*tuple(_d.values())))

</pallas_src>

<mosaic_0001>
#map = affine_map<(d0, d1) -> (0, 0)>
module attributes {stable_mosaic.version = 14 : i64} {
  func.func @sc_k(%arg0: i32, %arg1: i32, %arg2: memref<16384x2048xf32, #tpu.memory_space<hbm>>, %arg3: memref<21x2048xf32, #tpu.memory_space<hbm>>, %arg4: memref<16384x2048xf32, #tpu.memory_space<hbm>>, %arg5: memref<16x2048xf32, #tpu.memory_space<vmem>>, %arg6: memref<8x2048xf32, #tpu.memory_space<vmem>>, %arg7: memref<8x2048xf32, #tpu.memory_space<vmem>>, %arg8: memref<8x2048xf32, #tpu.memory_space<vmem>>, %arg9: memref<8x2048xf32, #tpu.memory_space<vmem>>, %arg10: memref<!tpu.dma_semaphore, #tpu.memory_space<semaphore_mem>>, %arg11: memref<!tpu.dma_semaphore, #tpu.memory_space<semaphore_mem>>, %arg12: memref<!tpu.dma_semaphore, #tpu.memory_space<semaphore_mem>>, %arg13: memref<!tpu.dma_semaphore, #tpu.memory_space<semaphore_mem>>, %arg14: memref<!tpu.dma_semaphore, #tpu.memory_space<semaphore_mem>>, %arg15: memref<!tpu.dma_semaphore, #tpu.memory_space<semaphore_mem>>, %arg16: memref<!tpu.dma_semaphore, #tpu.memory_space<semaphore_mem>>, %arg17: memref<!tpu.dma_semaphore, #tpu.memory_space<semaphore_mem>>) attributes {dimension_semantics = [#tpu.dimension_semantics<core_parallel>, #tpu.dimension_semantics<subcore_parallel>], iteration_bounds = array<i64: 2, 16>, scalar_prefetch = 0 : i64, scratch_operands = 13 : i64, tpu.core_type = #tpu.core_type<sc_vector_subcore>, window_params = [{transform_indices = #map}, {transform_indices = #map}, {transform_indices = #map}]} {
    %mul3A = arith.constant 2 : i32
    %mul3A_0 = arith.muli %arg1, %mul3A : i32
    %add3A = arith.addi %mul3A_0, %arg0 : i32
    %mul3A_1 = arith.constant 512 : i32
    %mul3A_2 = arith.muli %add3A, %mul3A_1 : i32
    %jit3A = arith.constant 8 : i32
    %eq3A = arith.constant 0 : i32
    %eq3A_3 = arith.cmpi eq, %jit3A, %eq3A : i32
    %jit3A_4 = arith.constant 1 : i32
    %select_n3A = arith.select %eq3A_3, %jit3A_4, %jit3A : i32
    %rem3A = arith.remsi %add3A, %select_n3A : i32
    %ne3A = arith.constant 0 : i32
    %ne3A_5 = arith.cmpi ne, %rem3A, %ne3A : i32
    %lt3A = arith.constant 0 : i32
    %lt3A_6 = arith.cmpi slt, %rem3A, %lt3A : i32
    %lt3A_7 = arith.constant 0 : i32
    %lt3A_8 = arith.cmpi slt, %select_n3A, %lt3A_7 : i32
    %ne3A_9 = arith.xori %lt3A_6, %lt3A_8 : i1
    %and3A = arith.andi %ne3A_9, %ne3A_5 : i1
    %add3A_10 = arith.addi %rem3A, %select_n3A : i32
    %select_n3A_11 = arith.select %and3A, %add3A_10, %rem3A : i32
    %mul3A_12 = arith.constant 2 : i32
    %mul3A_13 = arith.muli %select_n3A_11, %mul3A_12 : i32
    %add3A_14 = arith.constant 0 : i32
    %add3A_15 = arith.addi %mul3A_2, %add3A_14 : i32
    %dma_start3A = arith.constant 0 : i32
    %dma_start3A_16 = tpu.memref_slice %arg2[%add3A_15, %dma_start3A] : memref<16384x2048xf32, #tpu.memory_space<hbm>> -> memref<8x2048xf32, #tpu.memory_space<hbm>>
    %dma_start3A_17 = arith.constant 0 : i32
    %dma_start3A_18 = tpu.memref_slice %arg2[%add3A_15, %dma_start3A_17] : memref<16384x2048xf32, #tpu.memory_space<hbm>> -> memref<8x2048xf32, #tpu.memory_space<hbm>>
    tpu.enqueue_dma source(%dma_start3A_18 : memref<8x2048xf32, #tpu.memory_space<hbm>>) target(%arg6 : memref<8x2048xf32, #tpu.memory_space<vmem>>) target_semaphore(%arg10 : memref<!tpu.dma_semaphore, #tpu.memory_space<semaphore_mem>>)
    %add3A_19 = arith.constant 8 : i32
    %add3A_20 = arith.addi %mul3A_2, %add3A_19 : i32
    %dma_start3A_21 = arith.constant 0 : i32
    %dma_start3A_22 = tpu.memref_slice %arg2[%add3A_20, %dma_start3A_21] : memref<16384x2048xf32, #tpu.memory_space<hbm>> -> memref<8x2048xf32, #tpu.memory_space<hbm>>
    %dma_start3A_23 = arith.constant 0 : i32
    %dma_start3A_24 = tpu.memref_slice %arg2[%add3A_20, %dma_start3A_23] : memref<16384x2048xf32, #tpu.memory_space<hbm>> -> memref<8x2048xf32, #tpu.memory_space<hbm>>
    tpu.enqueue_dma source(%dma_start3A_24 : memref<8x2048xf32, #tpu.memory_space<hbm>>) target(%arg7 : memref<8x2048xf32, #tpu.memory_space<vmem>>) target_semaphore(%arg11 : memref<!tpu.dma_semaphore, #tpu.memory_space<semaphore_mem>>)
    "tpu.region"() ({
      %run_scoped3A = tpu.sem_alloc : memref<!tpu.dma_semaphore, #tpu.memory_space<semaphore_mem>>
      %dma_start3A_41 = arith.constant 0 : i32
      %dma_start3A_42 = arith.constant 0 : i32
      %dma_start3A_43 = tpu.memref_slice %arg3[%dma_start3A_41, %dma_start3A_42] : memref<21x2048xf32, #tpu.memory_space<hbm>> -> memref<16x2048xf32, #tpu.memory_space<hbm>>
      %dma_start3A_44 = arith.constant 0 : i32
      %dma_start3A_45 = arith.constant 0 : i32
      %dma_start3A_46 = tpu.memref_slice %arg3[%dma_start3A_44, %dma_start3A_45] : memref<21x2048xf32, #tpu.memory_space<hbm>> -> memref<16x2048xf32, #tpu.memory_space<hbm>>
      tpu.enqueue_dma source(%dma_start3A_46 : memref<16x2048xf32, #tpu.memory_space<hbm>>) target(%arg5 : memref<16x2048xf32, #tpu.memory_space<vmem>>) target_semaphore(%run_scoped3A : memref<!tpu.dma_semaphore, #tpu.memory_space<semaphore_mem>>)
      %dma_wait3A_47 = arith.constant 0 : i32
      %dma_wait3A_48 = arith.constant 0 : i32
      %dma_wait3A_49 = tpu.memref_slice %arg3[%dma_wait3A_47, %dma_wait3A_48] : memref<21x2048xf32, #tpu.memory_space<hbm>> -> memref<16x2048xf32, #tpu.memory_space<hbm>>
      %dma_wait3A_50 = arith.constant 0 : i32
      %dma_wait3A_51 = arith.constant 0 : i32
      %dma_wait3A_52 = tpu.memref_slice %arg3[%dma_wait3A_50, %dma_wait3A_51] : memref<21x2048xf32, #tpu.memory_space<hbm>> -> memref<16x2048xf32, #tpu.memory_space<hbm>>
      tpu.wait_dma2 semaphore(%run_scoped3A : memref<!tpu.dma_semaphore, #tpu.memory_space<semaphore_mem>>) src(%dma_wait3A_52 : memref<16x2048xf32, #tpu.memory_space<hbm>>) dst(%arg5 : memref<16x2048xf32, #tpu.memory_space<vmem>>)
      tpu.yield
    }) : () -> ()
    %scan3A = arith.constant 0 : i32
    %scan3A_25 = arith.constant 0 : i32
    %scan3A_26 = arith.constant 16 : i32
    %scan3A_27 = arith.addi %scan3A_25, %scan3A_26 : i32
    %scan3A_28 = arith.constant 1 : i32
    scf.for %scan3A_41 = %scan3A_25 to %scan3A_27 step %scan3A_28  : i32 {
      %mul3A_42 = arith.constant 4 : i32
      %mul3A_43 = arith.muli %scan3A_41, %mul3A_42 : i32
      %add3A_44 = arith.constant 0 : i32
      %add3A_45 = arith.addi %mul3A_43, %add3A_44 : i32
      %dma_wait3A_46 = arith.constant 0 : i32
      %dma_wait3A_47 = arith.constant 0 : i32
      %dma_wait3A_48 = tpu.memref_slice %arg2[%dma_wait3A_46, %dma_wait3A_47] : memref<16384x2048xf32, #tpu.memory_space<hbm>> -> memref<8x2048xf32, #tpu.memory_space<hbm>>
      %dma_wait3A_49 = arith.constant 0 : i32
      %dma_wait3A_50 = arith.constant 0 : i32
      %dma_wait3A_51 = tpu.memref_slice %arg2[%dma_wait3A_49, %dma_wait3A_50] : memref<16384x2048xf32, #tpu.memory_space<hbm>> -> memref<8x2048xf32, #tpu.memory_space<hbm>>
      tpu.wait_dma2 semaphore(%arg10 : memref<!tpu.dma_semaphore, #tpu.memory_space<semaphore_mem>>) src(%dma_wait3A_51 : memref<8x2048xf32, #tpu.memory_space<hbm>>) dst(%arg6 : memref<8x2048xf32, #tpu.memory_space<vmem>>)
      %jit3A_52 = arith.constant 32 : i32
      %div3A = arith.divsi %add3A_45, %jit3A_52 : i32
      %sign3A = arith.constant 0 : i32
      %sign3A_53 = arith.cmpi sgt, %add3A_45, %sign3A : i32
      %sign3A_54 = arith.extui %sign3A_53 : i1 to i32
      %sign3A_55 = arith.constant 0 : i32
      %sign3A_56 = arith.cmpi slt, %add3A_45, %sign3A_55 : i32
      %sign3A_57 = arith.extui %sign3A_56 : i1 to i32
      %sign3A_58 = arith.subi %sign3A_54, %sign3A_57 : i32
      %sign3A_59 = arith.constant 0 : i32
      %sign3A_60 = arith.cmpi sgt, %jit3A_52, %sign3A_59 : i32
      %sign3A_61 = arith.extui %sign3A_60 : i1 to i32
      %sign3A_62 = arith.constant 0 : i32
      %sign3A_63 = arith.cmpi slt, %jit3A_52, %sign3A_62 : i32
      %sign3A_64 = arith.extui %sign3A_63 : i1 to i32
      %sign3A_65 = arith.subi %sign3A_61, %sign3A_64 : i32
      %ne3A_66 = arith.cmpi ne, %sign3A_58, %sign3A_65 : i32
      %rem3A_67 = arith.remsi %add3A_45, %jit3A_52 : i32
      %ne3A_68 = arith.constant 0 : i32
      %ne3A_69 = arith.cmpi ne, %rem3A_67, %ne3A_68 : i32
      %and3A_70 = arith.andi %ne3A_66, %ne3A_69 : i1
      %sub3A = arith.constant 1 : i32
      %sub3A_71 = arith.subi %div3A, %sub3A : i32
      %select_n3A_72 = arith.select %and3A_70, %sub3A_71, %div3A : i32
      %add3A_73 = arith.addi %mul3A_13, %select_n3A_72 : i32
      %parallel_loop3A = arith.constant 0 : i32
      %parallel_loop3A_74 = arith.constant 128 : i32
      %parallel_loop3A_75 = arith.constant 1 : i32
      scf.for %parallel_loop3A_263 = %parallel_loop3A to %parallel_loop3A_74 step %parallel_loop3A_75  : i32 {
        %parallel_loop3A_264 = arith.constant 16 : i32
        %parallel_loop3A_265 = arith.muli %parallel_loop3A_263, %parallel_loop3A_264 : i32
        %parallel_loop3A_266 = arith.index_cast %add3A_73 : i32 to index
        %parallel_loop3A_267 = arith.index_cast %parallel_loop3A_265 : i32 to index
        %parallel_loop3A_268 = tpu.vector_load %arg5[%parallel_loop3A_266, %parallel_loop3A_267] {strides = array<i32>} : memref<16x2048xf32, #tpu.memory_space<vmem>>, vector<1x16xf32>,
        %parallel_loop3A_269 = vector.shape_cast %parallel_loop3A_268 : vector<1x16xf32> to vector<16xf32>
        %parallel_loop3A_270 = arith.constant 16 : i32
        %parallel_loop3A_271 = arith.muli %parallel_loop3A_263, %parallel_loop3A_270 : i32
        %parallel_loop3A_272 = arith.constant 0 : i32
        %parallel_loop3A_273 = arith.index_cast %parallel_loop3A_272 : i32 to index
        %parallel_loop3A_274 = arith.index_cast %parallel_loop3A_271 : i32 to index
        %parallel_loop3A_275 = tpu.vector_load %arg6[%parallel_loop3A_273, %parallel_loop3A_274] {strides = array<i32>} : memref<8x2048xf32, #tpu.memory_space<vmem>>, vector<1x16xf32>,
        %parallel_loop3A_276 = vector.shape_cast %parallel_loop3A_275 : vector<1x16xf32> to vector<16xf32>
        %parallel_loop3A_277 = vector.shape_cast %parallel_loop3A_269 : vector<16xf32> to vector<1x16xf32>
        tpu.vector_store %arg6[%parallel_loop3A_273, %parallel_loop3A_274], %parallel_loop3A_277 {add = true, strides = array<i32>} : memref<8x2048xf32, #tpu.memory_space<vmem>>, vector<1x16xf32>,
        %parallel_loop3A_278 = arith.constant 16 : i32
        %parallel_loop3A_279 = arith.muli %parallel_loop3A_263, %parallel_loop3A_278 : i32
        %parallel_loop3A_280 = arith.constant 1 : i32
        %parallel_loop3A_281 = arith.index_cast %parallel_loop3A_280 : i32 to index
        %parallel_loop3A_282 = arith.index_cast %parallel_loop3A_279 : i32 to index
        %parallel_loop3A_283 = tpu.vector_load %arg6[%parallel_loop3A_281, %parallel_loop3A_282] {strides = array<i32>} : memref<8x2048xf32, #tpu.memory_space<vmem>>, vector<1x16xf32>,
        %parallel_loop3A_284 = vector.shape_cast %parallel_loop3A_283 : vector<1x16xf32> to vector<16xf32>
        %parallel_loop3A_285 = vector.shape_cast %parallel_loop3A_269 : vector<16xf32> to vector<1x16xf32>
        tpu.vector_store %arg6[%parallel_loop3A_281, %parallel_loop3A_282], %parallel_loop3A_285 {add = true, strides = array<i32>} : memref<8x2048xf32, #tpu.memory_space<vmem>>, vector<1x16xf32>,
        %parallel_loop3A_286 = arith.constant 16 : i32
        %parallel_loop3A_287 = arith.muli %parallel_loop3A_263, %parallel_loop3A_286 : i32
        %parallel_loop3A_288 = arith.constant 2 : i32
        %parallel_loop3A_289 = arith.index_cast %parallel_loop3A_288 : i32 to index
        %parallel_loop3A_290 = arith.index_cast %parallel_loop3A_287 : i32 to index
        %parallel_loop3A_291 = tpu.vector_load %arg6[%parallel_loop3A_289, %parallel_loop3A_290] {strides = array<i32>} : memref<8x2048xf32, #tpu.memory_space<vmem>>, vector<1x16xf32>,
        %parallel_loop3A_292 = vector.shape_cast %parallel_loop3A_291 : vector<1x16xf32> to vector<16xf32>
        %parallel_loop3A_293 = vector.shape_cast %parallel_loop3A_269 : vector<16xf32> to vector<1x16xf32>
        tpu.vector_store %arg6[%parallel_loop3A_289, %parallel_loop3A_290], %parallel_loop3A_293 {add = true, strides = array<i32>} : memref<8x2048xf32, #tpu.memory_space<vmem>>, vector<1x16xf32>,
        %parallel_loop3A_294 = arith.constant 16 : i32
        %parallel_loop3A_295 = arith.muli %parallel_loop3A_263, %parallel_loop3A_294 : i32
        %parallel_loop3A_296 = arith.constant 3 : i32
        %parallel_loop3A_297 = arith.index_cast %parallel_loop3A_296 : i32 to index
        %parallel_loop3A_298 = arith.index_cast %parallel_loop3A_295 : i32 to index
        %parallel_loop3A_299 = tpu.vector_load %arg6[%parallel_loop3A_297, %parallel_loop3A_298] {strides = array<i32>} : memref<8x2048xf32, #tpu.memory_space<vmem>>, vector<1x16xf32>,
        %parallel_loop3A_300 = vector.shape_cast %parallel_loop3A_299 : vector<1x16xf32> to vector<16xf32>
        %parallel_loop3A_301 = vector.shape_cast %parallel_loop3A_269 : vector<16xf32> to vector<1x16xf32>
        tpu.vector_store %arg6[%parallel_loop3A_297, %parallel_loop3A_298], %parallel_loop3A_301 {add = true, strides = array<i32>} : memref<8x2048xf32, #tpu.memory_space<vmem>>, vector<1x16xf32>,
        %parallel_loop3A_302 = arith.constant 16 : i32
        %parallel_loop3A_303 = arith.muli %parallel_loop3A_263, %parallel_loop3A_302 : i32
        %parallel_loop3A_304 = arith.constant 4 : i32
        %parallel_loop3A_305 = arith.index_cast %parallel_loop3A_304 : i32 to index
        %parallel_loop3A_306 = arith.index_cast %parallel_loop3A_303 : i32 to index
        %parallel_loop3A_307 = tpu.vector_load %arg6[%parallel_loop3A_305, %parallel_loop3A_306] {strides = array<i32>} : memref<8x2048xf32, #tpu.memory_space<vmem>>, vector<1x16xf32>,
        %parallel_loop3A_308 = vector.shape_cast %parallel_loop3A_307 : vector<1x16xf32> to vector<16xf32>
        %parallel_loop3A_309 = vector.shape_cast %parallel_loop3A_269 : vector<16xf32> to vector<1x16xf32>
        tpu.vector_store %arg6[%parallel_loop3A_305, %parallel_loop3A_306], %parallel_loop3A_309 {add = true, strides = array<i32>} : memref<8x2048xf32, #tpu.memory_space<vmem>>, vector<1x16xf32>,
        %parallel_loop3A_310 = arith.constant 16 : i32
        %parallel_loop3A_311 = arith.muli %parallel_loop3A_263, %parallel_loop3A_310 : i32
        %parallel_loop3A_312 = arith.constant 5 : i32
        %parallel_loop3A_313 = arith.index_cast %parallel_loop3A_312 : i32 to index
        %parallel_loop3A_314 = arith.index_cast %parallel_loop3A_311 : i32 to index
        %parallel_loop3A_315 = tpu.vector_load %arg6[%parallel_loop3A_313, %parallel_loop3A_314] {strides = array<i32>} : memref<8x2048xf32, #tpu.memory_space<vmem>>, vector<1x16xf32>,
        %parallel_loop3A_316 = vector.shape_cast %parallel_loop3A_315 : vector<1x16xf32> to vector<16xf32>
        %parallel_loop3A_317 = vector.shape_cast %parallel_loop3A_269 : vector<16xf32> to vector<1x16xf32>
        tpu.vector_store %arg6[%parallel_loop3A_313, %parallel_loop3A_314], %parallel_loop3A_317 {add = true, strides = array<i32>} : memref<8x2048xf32, #tpu.memory_space<vmem>>, vector<1x16xf32>,
        %parallel_loop3A_318 = arith.constant 16 : i32
        %parallel_loop3A_319 = arith.muli %parallel_loop3A_263, %parallel_loop3A_318 : i32
        %parallel_loop3A_320 = arith.constant 6 : i32
        %parallel_loop3A_321 = arith.index_cast %parallel_loop3A_320 : i32 to index
        %parallel_loop3A_322 = arith.index_cast %parallel_loop3A_319 : i32 to index
        %parallel_loop3A_323 = tpu.vector_load %arg6[%parallel_loop3A_321, %parallel_loop3A_322] {strides = array<i32>} : memref<8x2048xf32, #tpu.memory_space<vmem>>, vector<1x16xf32>,
        %parallel_loop3A_324 = vector.shape_cast %parallel_loop3A_323 : vector<1x16xf32> to vector<16xf32>
        %parallel_loop3A_325 = vector.shape_cast %parallel_loop3A_269 : vector<16xf32> to vector<1x16xf32>
        tpu.vector_store %arg6[%parallel_loop3A_321, %parallel_loop3A_322], %parallel_loop3A_325 {add = true, strides = array<i32>} : memref<8x2048xf32, #tpu.memory_space<vmem>>, vector<1x16xf32>,
        %parallel_loop3A_326 = arith.constant 16 : i32
        %parallel_loop3A_327 = arith.muli %parallel_loop3A_263, %parallel_loop3A_326 : i32
        %parallel_loop3A_328 = arith.constant 7 : i32
        %parallel_loop3A_329 = arith.index_cast %parallel_loop3A_328 : i32 to index
        %parallel_loop3A_330 = arith.index_cast %parallel_loop3A_327 : i32 to index
        %parallel_loop3A_331 = tpu.vector_load %arg6[%parallel_loop3A_329, %parallel_loop3A_330] {strides = array<i32>} : memref<8x2048xf32, #tpu.memory_space<vmem>>, vector<1x16xf32>,
        %parallel_loop3A_332 = vector.shape_cast %parallel_loop3A_331 : vector<1x16xf32> to vector<16xf32>
        %parallel_loop3A_333 = vector.shape_cast %parallel_loop3A_269 : vector<16xf32> to vector<1x16xf32>
        tpu.vector_store %arg6[%parallel_loop3A_329, %parallel_loop3A_330], %parallel_loop3A_333 {add = true, strides = array<i32>} : memref<8x2048xf32, #tpu.memory_space<vmem>>, vector<1x16xf32>,
      } {sc.loop_unroll_factor = 4 : i64, sc.parallel_access}
      %mul3A_76 = arith.constant 8 : i32
      %mul3A_77 = arith.muli %add3A_45, %mul3A_76 : i32
      %add3A_78 = arith.addi %mul3A_2, %mul3A_77 : i32
      %dma_start3A_79 = arith.constant 0 : i32
      %dma_start3A_80 = tpu.memref_slice %arg4[%add3A_78, %dma_start3A_79] : memref<16384x2048xf32, #tpu.memory_space<hbm>> -> memref<8x2048xf32, #tpu.memory_space<hbm>>
      %dma_start3A_81 = arith.constant 0 : i32
      %dma_start3A_82 = tpu.memref_slice %arg4[%add3A_78, %dma_start3A_81] : memref<16384x2048xf32, #tpu.memory_space<hbm>> -> memref<8x2048xf32, #tpu.memory_space<hbm>>
      tpu.enqueue_dma source(%arg6 : memref<8x2048xf32, #tpu.memory_space<vmem>>) target(%dma_start3A_82 : memref<8x2048xf32, #tpu.memory_space<hbm>>) target_semaphore(%arg14 : memref<!tpu.dma_semaphore, #tpu.memory_space<semaphore_mem>>)
      %ge3A = arith.constant 2 : i32
      %ge3A_83 = arith.cmpi sge, %add3A_45, %ge3A : i32
      %convert_element_type3A = arith.extui %ge3A_83 : i1 to i32
      %cond3A = arith.constant 0 : i32
      %cond3A_84 = arith.cmpi ne, %convert_element_type3A, %cond3A : i32
      scf.if %cond3A_84 {
        %dma_wait3A_263 = arith.constant 0 : i32
        %dma_wait3A_264 = arith.constant 0 : i32
        %dma_wait3A_265 = tpu.memref_slice %arg4[%dma_wait3A_263, %dma_wait3A_264] : memref<16384x2048xf32, #tpu.memory_space<hbm>> -> memref<8x2048xf32, #tpu.memory_space<hbm>>
        %dma_wait3A_266 = arith.constant 0 : i32
        %dma_wait3A_267 = arith.constant 0 : i32
        %dma_wait3A_268 = tpu.memref_slice %arg4[%dma_wait3A_266, %dma_wait3A_267] : memref<16384x2048xf32, #tpu.memory_space<hbm>> -> memref<8x2048xf32, #tpu.memory_space<hbm>>
        tpu.wait_dma2 semaphore(%arg16 : memref<!tpu.dma_semaphore, #tpu.memory_space<semaphore_mem>>) src(%arg8 : memref<8x2048xf32, #tpu.memory_space<vmem>>) dst(%dma_wait3A_268 : memref<8x2048xf32, #tpu.memory_space<hbm>>)
      } else {
      }
      %add3A_85 = arith.constant 2 : i32
      %add3A_86 = arith.addi %add3A_45, %add3A_85 : i32
      %lt3A_87 = arith.constant 64 : i32
      %lt3A_88 = arith.cmpi slt, %add3A_86, %lt3A_87 : i32
      %convert_element_type3A_89 = arith.extui %lt3A_88 : i1 to i32
      %cond3A_90 = arith.constant 0 : i32
      %cond3A_91 = arith.cmpi ne, %convert_element_type3A_89, %cond3A_90 : i32
      scf.if %cond3A_91 {
        %add3A_263 = arith.constant 2 : i32
        %add3A_264 = arith.addi %add3A_45, %add3A_263 : i32
        %mul3A_265 = arith.constant 8 : i32
        %mul3A_266 = arith.muli %add3A_264, %mul3A_265 : i32
        %add3A_267 = arith.addi %mul3A_2, %mul3A_266 : i32
        %dma_start3A_268 = arith.constant 0 : i32
        %dma_start3A_269 = tpu.memref_slice %arg2[%add3A_267, %dma_start3A_268] : memref<16384x2048xf32, #tpu.memory_space<hbm>> -> memref<8x2048xf32, #tpu.memory_space<hbm>>
        %dma_start3A_270 = arith.constant 0 : i32
        %dma_start3A_271 = tpu.memref_slice %arg2[%add3A_267, %dma_start3A_270] : memref<16384x2048xf32, #tpu.memory_space<hbm>> -> memref<8x2048xf32, #tpu.memory_space<hbm>>
        tpu.enqueue_dma source(%dma_start3A_271 : memref<8x2048xf32, #tpu.memory_space<hbm>>) target(%arg8 : memref<8x2048xf32, #tpu.memory_space<vmem>>) target_semaphore(%arg12 : memref<!tpu.dma_semaphore, #tpu.memory_space<semaphore_mem>>)
      } else {
      }
      %mul3A_92 = arith.constant 4 : i32
      %mul3A_93 = arith.muli %scan3A_41, %mul3A_92 : i32
      %add3A_94 = arith.constant 1 : i32
      %add3A_95 = arith.addi %mul3A_93, %add3A_94 : i32
      %dma_wait3A_96 = arith.constant 0 : i32
      %dma_wait3A_97 = arith.constant 0 : i32
      %dma_wait3A_98 = tpu.memref_slice %arg2[%dma_wait3A_96, %dma_wait3A_97] : memref<16384x2048xf32, #tpu.memory_space<hbm>> -> memref<8x2048xf32, #tpu.memory_space<hbm>>
      %dma_wait3A_99 = arith.constant 0 : i32
      %dma_wait3A_100 = arith.constant 0 : i32
      %dma_wait3A_101 = tpu.memref_slice %arg2[%dma_wait3A_99, %dma_wait3A_100] : memref<16384x2048xf32, #tpu.memory_space<hbm>> -> memref<8x2048xf32, #tpu.memory_space<hbm>>
      tpu.wait_dma2 semaphore(%arg11 : memref<!tpu.dma_semaphore, #tpu.memory_space<semaphore_mem>>) src(%dma_wait3A_101 : memref<8x2048xf32, #tpu.memory_space<hbm>>) dst(%arg7 : memref<8x2048xf32, #tpu.memory_space<vmem>>)
      %jit3A_102 = arith.constant 32 : i32
      %div3A_103 = arith.divsi %add3A_95, %jit3A_102 : i32
      %sign3A_104 = arith.constant 0 : i32
      %sign3A_105 = arith.cmpi sgt, %add3A_95, %sign3A_104 : i32
      %sign3A_106 = arith.extui %sign3A_105 : i1 to i32
      %sign3A_107 = arith.constant 0 : i32
      %sign3A_108 = arith.cmpi slt, %add3A_95, %sign3A_107 : i32
      %sign3A_109 = arith.extui %sign3A_108 : i1 to i32
      %sign3A_110 = arith.subi %sign3A_106, %sign3A_109 : i32
      %sign3A_111 = arith.constant 0 : i32
      %sign3A_112 = arith.cmpi sgt, %jit3A_102, %sign3A_111 : i32
      %sign3A_113 = arith.extui %sign3A_112 : i1 to i32
      %sign3A_114 = arith.constant 0 : i32
      %sign3A_115 = arith.cmpi slt, %jit3A_102, %sign3A_114 : i32
      %sign3A_116 = arith.extui %sign3A_115 : i1 to i32
      %sign3A_117 = arith.subi %sign3A_113, %sign3A_116 : i32
      %ne3A_118 = arith.cmpi ne, %sign3A_110, %sign3A_117 : i32
      %rem3A_119 = arith.remsi %add3A_95, %jit3A_102 : i32
      %ne3A_120 = arith.constant 0 : i32
      %ne3A_121 = arith.cmpi ne, %rem3A_119, %ne3A_120 : i32
      %and3A_122 = arith.andi %ne3A_118, %ne3A_121 : i1
      %sub3A_123 = arith.constant 1 : i32
      %sub3A_124 = arith.subi %div3A_103, %sub3A_123 : i32
      %select_n3A_125 = arith.select %and3A_122, %sub3A_124, %div3A_103 : i32
      %add3A_126 = arith.addi %mul3A_13, %select_n3A_125 : i32
      %parallel_loop3A_127 = arith.constant 0 : i32
      %parallel_loop3A_128 = arith.constant 128 : i32
      %parallel_loop3A_129 = arith.constant 1 : i32
      scf.for %parallel_loop3A_263 = %parallel_loop3A_127 to %parallel_loop3A_128 step %parallel_loop3A_129  : i32 {
        %parallel_loop3A_264 = arith.constant 16 : i32
        %parallel_loop3A_265 = arith.muli %parallel_loop3A_263, %parallel_loop3A_264 : i32
        %parallel_loop3A_266 = arith.index_cast %add3A_126 : i32 to index
        %parallel_loop3A_267 = arith.index_cast %parallel_loop3A_265 : i32 to index
        %parallel_loop3A_268 = tpu.vector_load %arg5[%parallel_loop3A_266, %parallel_loop3A_267] {strides = array<i32>} : memref<16x2048xf32, #tpu.memory_space<vmem>>, vector<1x16xf32>,
        %parallel_loop3A_269 = vector.shape_cast %parallel_loop3A_268 : vector<1x16xf32> to vector<16xf32>
        %parallel_loop3A_270 = arith.constant 16 : i32
        %parallel_loop3A_271 = arith.muli %parallel_loop3A_263, %parallel_loop3A_270 : i32
        %parallel_loop3A_272 = arith.constant 0 : i32
        %parallel_loop3A_273 = arith.index_cast %parallel_loop3A_272 : i32 to index
        %parallel_loop3A_274 = arith.index_cast %parallel_loop3A_271 : i32 to index
        %parallel_loop3A_275 = tpu.vector_load %arg7[%parallel_loop3A_273, %parallel_loop3A_274] {strides = array<i32>} : memref<8x2048xf32, #tpu.memory_space<vmem>>, vector<1x16xf32>,
        %parallel_loop3A_276 = vector.shape_cast %parallel_loop3A_275 : vector<1x16xf32> to vector<16xf32>
        %parallel_loop3A_277 = vector.shape_cast %parallel_loop3A_269 : vector<16xf32> to vector<1x16xf32>
        tpu.vector_store %arg7[%parallel_loop3A_273, %parallel_loop3A_274], %parallel_loop3A_277 {add = true, strides = array<i32>} : memref<8x2048xf32, #tpu.memory_space<vmem>>, vector<1x16xf32>,
        %parallel_loop3A_278 = arith.constant 16 : i32
        %parallel_loop3A_279 = arith.muli %parallel_loop3A_263, %parallel_loop3A_278 : i32
        %parallel_loop3A_280 = arith.constant 1 : i32
        %parallel_loop3A_281 = arith.index_cast %parallel_loop3A_280 : i32 to index
        %parallel_loop3A_282 = arith.index_cast %parallel_loop3A_279 : i32 to index
        %parallel_loop3A_283 = tpu.vector_load %arg7[%parallel_loop3A_281, %parallel_loop3A_282] {strides = array<i32>} : memref<8x2048xf32, #tpu.memory_space<vmem>>, vector<1x16xf32>,
        %parallel_loop3A_284 = vector.shape_cast %parallel_loop3A_283 : vector<1x16xf32> to vector<16xf32>
        %parallel_loop3A_285 = vector.shape_cast %parallel_loop3A_269 : vector<16xf32> to vector<1x16xf32>
        tpu.vector_store %arg7[%parallel_loop3A_281, %parallel_loop3A_282], %parallel_loop3A_285 {add = true, strides = array<i32>} : memref<8x2048xf32, #tpu.memory_space<vmem>>, vector<1x16xf32>,
        %parallel_loop3A_286 = arith.constant 16 : i32
        %parallel_loop3A_287 = arith.muli %parallel_loop3A_263, %parallel_loop3A_286 : i32
        %parallel_loop3A_288 = arith.constant 2 : i32
        %parallel_loop3A_289 = arith.index_cast %parallel_loop3A_288 : i32 to index
        %parallel_loop3A_290 = arith.index_cast %parallel_loop3A_287 : i32 to index
        %parallel_loop3A_291 = tpu.vector_load %arg7[%parallel_loop3A_289, %parallel_loop3A_290] {strides = array<i32>} : memref<8x2048xf32, #tpu.memory_space<vmem>>, vector<1x16xf32>,
        %parallel_loop3A_292 = vector.shape_cast %parallel_loop3A_291 : vector<1x16xf32> to vector<16xf32>
        %parallel_loop3A_293 = vector.shape_cast %parallel_loop3A_269 : vector<16xf32> to vector<1x16xf32>
        tpu.vector_store %arg7[%parallel_loop3A_289, %parallel_loop3A_290], %parallel_loop3A_293 {add = true, strides = array<i32>} : memref<8x2048xf32, #tpu.memory_space<vmem>>, vector<1x16xf32>,
        %parallel_loop3A_294 = arith.constant 16 : i32
        %parallel_loop3A_295 = arith.muli %parallel_loop3A_263, %parallel_loop3A_294 : i32
        %parallel_loop3A_296 = arith.constant 3 : i32
        %parallel_loop3A_297 = arith.index_cast %parallel_loop3A_296 : i32 to index
        %parallel_loop3A_298 = arith.index_cast %parallel_loop3A_295 : i32 to index
        %parallel_loop3A_299 = tpu.vector_load %arg7[%parallel_loop3A_297, %parallel_loop3A_298] {strides = array<i32>} : memref<8x2048xf32, #tpu.memory_space<vmem>>, vector<1x16xf32>,
        %parallel_loop3A_300 = vector.shape_cast %parallel_loop3A_299 : vector<1x16xf32> to vector<16xf32>
        %parallel_loop3A_301 = vector.shape_cast %parallel_loop3A_269 : vector<16xf32> to vector<1x16xf32>
        tpu.vector_store %arg7[%parallel_loop3A_297, %parallel_loop3A_298], %parallel_loop3A_301 {add = true, strides = array<i32>} : memref<8x2048xf32, #tpu.memory_space<vmem>>, vector<1x16xf32>,
        %parallel_loop3A_302 = arith.constant 16 : i32
        %parallel_loop3A_303 = arith.muli %parallel_loop3A_263, %parallel_loop3A_302 : i32
        %parallel_loop3A_304 = arith.constant 4 : i32
        %parallel_loop3A_305 = arith.index_cast %parallel_loop3A_304 : i32 to index
        %parallel_loop3A_306 = arith.index_cast %parallel_loop3A_303 : i32 to index
        %parallel_loop3A_307 = tpu.vector_load %arg7[%parallel_loop3A_305, %parallel_loop3A_306] {strides = array<i32>} : memref<8x2048xf32, #tpu.memory_space<vmem>>, vector<1x16xf32>,
        %parallel_loop3A_308 = vector.shape_cast %parallel_loop3A_307 : vector<1x16xf32> to vector<16xf32>
        %parallel_loop3A_309 = vector.shape_cast %parallel_loop3A_269 : vector<16xf32> to vector<1x16xf32>
        tpu.vector_store %arg7[%parallel_loop3A_305, %parallel_loop3A_306], %parallel_loop3A_309 {add = true, strides = array<i32>} : memref<8x2048xf32, #tpu.memory_space<vmem>>, vector<1x16xf32>,
        %parallel_loop3A_310 = arith.constant 16 : i32
        %parallel_loop3A_311 = arith.muli %parallel_loop3A_263, %parallel_loop3A_310 : i32
        %parallel_loop3A_312 = arith.constant 5 : i32
        %parallel_loop3A_313 = arith.index_cast %parallel_loop3A_312 : i32 to index
        %parallel_loop3A_314 = arith.index_cast %parallel_loop3A_311 : i32 to index
        %parallel_loop3A_315 = tpu.vector_load %arg7[%parallel_loop3A_313, %parallel_loop3A_314] {strides = array<i32>} : memref<8x2048xf32, #tpu.memory_space<vmem>>, vector<1x16xf32>,
        %parallel_loop3A_316 = vector.shape_cast %parallel_loop3A_315 : vector<1x16xf32> to vector<16xf32>
        %parallel_loop3A_317 = vector.shape_cast %parallel_loop3A_269 : vector<16xf32> to vector<1x16xf32>
        tpu.vector_store %arg7[%parallel_loop3A_313, %parallel_loop3A_314], %parallel_loop3A_317 {add = true, strides = array<i32>} : memref<8x2048xf32, #tpu.memory_space<vmem>>, vector<1x16xf32>,
        %parallel_loop3A_318 = arith.constant 16 : i32
        %parallel_loop3A_319 = arith.muli %parallel_loop3A_263, %parallel_loop3A_318 : i32
        %parallel_loop3A_320 = arith.constant 6 : i32
        %parallel_loop3A_321 = arith.index_cast %parallel_loop3A_320 : i32 to index
        %parallel_loop3A_322 = arith.index_cast %parallel_loop3A_319 : i32 to index
        %parallel_loop3A_323 = tpu.vector_load %arg7[%parallel_loop3A_321, %parallel_loop3A_322] {strides = array<i32>} : memref<8x2048xf32, #tpu.memory_space<vmem>>, vector<1x16xf32>,
        %parallel_loop3A_324 = vector.shape_cast %parallel_loop3A_323 : vector<1x16xf32> to vector<16xf32>
        %parallel_loop3A_325 = vector.shape_cast %parallel_loop3A_269 : vector<16xf32> to vector<1x16xf32>
        tpu.vector_store %arg7[%parallel_loop3A_321, %parallel_loop3A_322], %parallel_loop3A_325 {add = true, strides = array<i32>} : memref<8x2048xf32, #tpu.memory_space<vmem>>, vector<1x16xf32>,
        %parallel_loop3A_326 = arith.constant 16 : i32
        %parallel_loop3A_327 = arith.muli %parallel_loop3A_263, %parallel_loop3A_326 : i32
        %parallel_loop3A_328 = arith.constant 7 : i32
        %parallel_loop3A_329 = arith.index_cast %parallel_loop3A_328 : i32 to index
        %parallel_loop3A_330 = arith.index_cast %parallel_loop3A_327 : i32 to index
        %parallel_loop3A_331 = tpu.vector_load %arg7[%parallel_loop3A_329, %parallel_loop3A_330] {strides = array<i32>} : memref<8x2048xf32, #tpu.memory_space<vmem>>, vector<1x16xf32>,
        %parallel_loop3A_332 = vector.shape_cast %parallel_loop3A_331 : vector<1x16xf32> to vector<16xf32>
        %parallel_loop3A_333 = vector.shape_cast %parallel_loop3A_269 : vector<16xf32> to vector<1x16xf32>
        tpu.vector_store %arg7[%parallel_loop3A_329, %parallel_loop3A_330], %parallel_loop3A_333 {add = true, strides = array<i32>} : memref<8x2048xf32, #tpu.memory_space<vmem>>, vector<1x16xf32>,
      } {sc.loop_unroll_factor = 4 : i64, sc.parallel_access}
      %mul3A_130 = arith.constant 8 : i32
      %mul3A_131 = arith.muli %add3A_95, %mul3A_130 : i32
      %add3A_132 = arith.addi %mul3A_2, %mul3A_131 : i32
      %dma_start3A_133 = arith.constant 0 : i32
      %dma_start3A_134 = tpu.memref_slice %arg4[%add3A_132, %dma_start3A_133] : memref<16384x2048xf32, #tpu.memory_space<hbm>> -> memref<8x2048xf32, #tpu.memory_space<hbm>>
      %dma_start3A_135 = arith.constant 0 : i32
      %dma_start3A_136 = tpu.memref_slice %arg4[%add3A_132, %dma_start3A_135] : memref<16384x2048xf32, #tpu.memory_space<hbm>> -> memref<8x2048xf32, #tpu.memory_space<hbm>>
      tpu.enqueue_dma source(%arg7 : memref<8x2048xf32, #tpu.memory_space<vmem>>) target(%dma_start3A_136 : memref<8x2048xf32, #tpu.memory_space<hbm>>) target_semaphore(%arg15 : memref<!tpu.dma_semaphore, #tpu.memory_space<semaphore_mem>>)
      %ge3A_137 = arith.constant 2 : i32
      %ge3A_138 = arith.cmpi sge, %add3A_95, %ge3A_137 : i32
      %convert_element_type3A_139 = arith.extui %ge3A_138 : i1 to i32
      %cond3A_140 = arith.constant 0 : i32
      %cond3A_141 = arith.cmpi ne, %convert_element_type3A_139, %cond3A_140 : i32
      scf.if %cond3A_141 {
        %dma_wait3A_263 = arith.constant 0 : i32
        %dma_wait3A_264 = arith.constant 0 : i32
        %dma_wait3A_265 = tpu.memref_slice %arg4[%dma_wait3A_263, %dma_wait3A_264] : memref<16384x2048xf32, #tpu.memory_space<hbm>> -> memref<8x2048xf32, #tpu.memory_space<hbm>>
        %dma_wait3A_266 = arith.constant 0 : i32
        %dma_wait3A_267 = arith.constant 0 : i32
        %dma_wait3A_268 = tpu.memref_slice %arg4[%dma_wait3A_266, %dma_wait3A_267] : memref<16384x2048xf32, #tpu.memory_space<hbm>> -> memref<8x2048xf32, #tpu.memory_space<hbm>>
        tpu.wait_dma2 semaphore(%arg17 : memref<!tpu.dma_semaphore, #tpu.memory_space<semaphore_mem>>) src(%arg9 : memref<8x2048xf32, #tpu.memory_space<vmem>>) dst(%dma_wait3A_268 : memref<8x2048xf32, #tpu.memory_space<hbm>>)
      } else {
      }
      %add3A_142 = arith.constant 2 : i32
      %add3A_143 = arith.addi %add3A_95, %add3A_142 : i32
      %lt3A_144 = arith.constant 64 : i32
      %lt3A_145 = arith.cmpi slt, %add3A_143, %lt3A_144 : i32
      %convert_element_type3A_146 = arith.extui %lt3A_145 : i1 to i32
      %cond3A_147 = arith.constant 0 : i32
      %cond3A_148 = arith.cmpi ne, %convert_element_type3A_146, %cond3A_147 : i32
      scf.if %cond3A_148 {
        %add3A_263 = arith.constant 2 : i32
        %add3A_264 = arith.addi %add3A_95, %add3A_263 : i32
        %mul3A_265 = arith.constant 8 : i32
        %mul3A_266 = arith.muli %add3A_264, %mul3A_265 : i32
        %add3A_267 = arith.addi %mul3A_2, %mul3A_266 : i32
        %dma_start3A_268 = arith.constant 0 : i32
        %dma_start3A_269 = tpu.memref_slice %arg2[%add3A_267, %dma_start3A_268] : memref<16384x2048xf32, #tpu.memory_space<hbm>> -> memref<8x2048xf32, #tpu.memory_space<hbm>>
        %dma_start3A_270 = arith.constant 0 : i32
        %dma_start3A_271 = tpu.memref_slice %arg2[%add3A_267, %dma_start3A_270] : memref<16384x2048xf32, #tpu.memory_space<hbm>> -> memref<8x2048xf32, #tpu.memory_space<hbm>>
        tpu.enqueue_dma source(%dma_start3A_271 : memref<8x2048xf32, #tpu.memory_space<hbm>>) target(%arg9 : memref<8x2048xf32, #tpu.memory_space<vmem>>) target_semaphore(%arg13 : memref<!tpu.dma_semaphore, #tpu.memory_space<semaphore_mem>>)
      } else {
      }
      %mul3A_149 = arith.constant 4 : i32
      %mul3A_150 = arith.muli %scan3A_41, %mul3A_149 : i32
      %add3A_151 = arith.constant 2 : i32
      %add3A_152 = arith.addi %mul3A_150, %add3A_151 : i32
      %dma_wait3A_153 = arith.constant 0 : i32
      %dma_wait3A_154 = arith.constant 0 : i32
      %dma_wait3A_155 = tpu.memref_slice %arg2[%dma_wait3A_153, %dma_wait3A_154] : memref<16384x2048xf32, #tpu.memory_space<hbm>> -> memref<8x2048xf32, #tpu.memory_space<hbm>>
      %dma_wait3A_156 = arith.constant 0 : i32
      %dma_wait3A_157 = arith.constant 0 : i32
      %dma_wait3A_158 = tpu.memref_slice %arg2[%dma_wait3A_156, %dma_wait3A_157] : memref<16384x2048xf32, #tpu.memory_space<hbm>> -> memref<8x2048xf32, #tpu.memory_space<hbm>>
      tpu.wait_dma2 semaphore(%arg12 : memref<!tpu.dma_semaphore, #tpu.memory_space<semaphore_mem>>) src(%dma_wait3A_158 : memref<8x2048xf32, #tpu.memory_space<hbm>>) dst(%arg8 : memref<8x2048xf32, #tpu.memory_space<vmem>>)
      %jit3A_159 = arith.constant 32 : i32
      %div3A_160 = arith.divsi %add3A_152, %jit3A_159 : i32
      %sign3A_161 = arith.constant 0 : i32
      %sign3A_162 = arith.cmpi sgt, %add3A_152, %sign3A_161 : i32
      %sign3A_163 = arith.extui %sign3A_162 : i1 to i32
      %sign3A_164 = arith.constant 0 : i32
      %sign3A_165 = arith.cmpi slt, %add3A_152, %sign3A_164 : i32
      %sign3A_166 = arith.extui %sign3A_165 : i1 to i32
      %sign3A_167 = arith.subi %sign3A_163, %sign3A_166 : i32
      %sign3A_168 = arith.constant 0 : i32
      %sign3A_169 = arith.cmpi sgt, %jit3A_159, %sign3A_168 : i32
      %sign3A_170 = arith.extui %sign3A_169 : i1 to i32
      %sign3A_171 = arith.constant 0 : i32
      %sign3A_172 = arith.cmpi slt, %jit3A_159, %sign3A_171 : i32
      %sign3A_173 = arith.extui %sign3A_172 : i1 to i32
      %sign3A_174 = arith.subi %sign3A_170, %sign3A_173 : i32
      %ne3A_175 = arith.cmpi ne, %sign3A_167, %sign3A_174 : i32
      %rem3A_176 = arith.remsi %add3A_152, %jit3A_159 : i32
      %ne3A_177 = arith.constant 0 : i32
      %ne3A_178 = arith.cmpi ne, %rem3A_176, %ne3A_177 : i32
      %and3A_179 = arith.andi %ne3A_175, %ne3A_178 : i1
      %sub3A_180 = arith.constant 1 : i32
      %sub3A_181 = arith.subi %div3A_160, %sub3A_180 : i32
      %select_n3A_182 = arith.select %and3A_179, %sub3A_181, %div3A_160 : i32
      %add3A_183 = arith.addi %mul3A_13, %select_n3A_182 : i32
      %parallel_loop3A_184 = arith.constant 0 : i32
      %parallel_loop3A_185 = arith.constant 128 : i32
      %parallel_loop3A_186 = arith.constant 1 : i32
      scf.for %parallel_loop3A_263 = %parallel_loop3A_184 to %parallel_loop3A_185 step %parallel_loop3A_186  : i32 {
        %parallel_loop3A_264 = arith.constant 16 : i32
        %parallel_loop3A_265 = arith.muli %parallel_loop3A_263, %parallel_loop3A_264 : i32
        %parallel_loop3A_266 = arith.index_cast %add3A_183 : i32 to index
        %parallel_loop3A_267 = arith.index_cast %parallel_loop3A_265 : i32 to index
        %parallel_loop3A_268 = tpu.vector_load %arg5[%parallel_loop3A_266, %parallel_loop3A_267] {strides = array<i32>} : memref<16x2048xf32, #tpu.memory_space<vmem>>, vector<1x16xf32>,
        %parallel_loop3A_269 = vector.shape_cast %parallel_loop3A_268 : vector<1x16xf32> to vector<16xf32>
        %parallel_loop3A_270 = arith.constant 16 : i32
        %parallel_loop3A_271 = arith.muli %parallel_loop3A_263, %parallel_loop3A_270 : i32
        %parallel_loop3A_272 = arith.constant 0 : i32
        %parallel_loop3A_273 = arith.index_cast %parallel_loop3A_272 : i32 to index
        %parallel_loop3A_274 = arith.index_cast %parallel_loop3A_271 : i32 to index
        %parallel_loop3A_275 = tpu.vector_load %arg8[%parallel_loop3A_273, %parallel_loop3A_274] {strides = array<i32>} : memref<8x2048xf32, #tpu.memory_space<vmem>>, vector<1x16xf32>,
        %parallel_loop3A_276 = vector.shape_cast %parallel_loop3A_275 : vector<1x16xf32> to vector<16xf32>
        %parallel_loop3A_277 = vector.shape_cast %parallel_loop3A_269 : vector<16xf32> to vector<1x16xf32>
        tpu.vector_store %arg8[%parallel_loop3A_273, %parallel_loop3A_274], %parallel_loop3A_277 {add = true, strides = array<i32>} : memref<8x2048xf32, #tpu.memory_space<vmem>>, vector<1x16xf32>,
        %parallel_loop3A_278 = arith.constant 16 : i32
        %parallel_loop3A_279 = arith.muli %parallel_loop3A_263, %parallel_loop3A_278 : i32
        %parallel_loop3A_280 = arith.constant 1 : i32
        %parallel_loop3A_281 = arith.index_cast %parallel_loop3A_280 : i32 to index
        %parallel_loop3A_282 = arith.index_cast %parallel_loop3A_279 : i32 to index
        %parallel_loop3A_283 = tpu.vector_load %arg8[%parallel_loop3A_281, %parallel_loop3A_282] {strides = array<i32>} : memref<8x2048xf32, #tpu.memory_space<vmem>>, vector<1x16xf32>,
        %parallel_loop3A_284 = vector.shape_cast %parallel_loop3A_283 : vector<1x16xf32> to vector<16xf32>
        %parallel_loop3A_285 = vector.shape_cast %parallel_loop3A_269 : vector<16xf32> to vector<1x16xf32>
        tpu.vector_store %arg8[%parallel_loop3A_281, %parallel_loop3A_282], %parallel_loop3A_285 {add = true, strides = array<i32>} : memref<8x2048xf32, #tpu.memory_space<vmem>>, vector<1x16xf32>,
        %parallel_loop3A_286 = arith.constant 16 : i32
        %parallel_loop3A_287 = arith.muli %parallel_loop3A_263, %parallel_loop3A_286 : i32
        %parallel_loop3A_288 = arith.constant 2 : i32
        %parallel_loop3A_289 = arith.index_cast %parallel_loop3A_288 : i32 to index
        %parallel_loop3A_290 = arith.index_cast %parallel_loop3A_287 : i32 to index
        %parallel_loop3A_291 = tpu.vector_load %arg8[%parallel_loop3A_289, %parallel_loop3A_290] {strides = array<i32>} : memref<8x2048xf32, #tpu.memory_space<vmem>>, vector<1x16xf32>,
        %parallel_loop3A_292 = vector.shape_cast %parallel_loop3A_291 : vector<1x16xf32> to vector<16xf32>
        %parallel_loop3A_293 = vector.shape_cast %parallel_loop3A_269 : vector<16xf32> to vector<1x16xf32>
        tpu.vector_store %arg8[%parallel_loop3A_289, %parallel_loop3A_290], %parallel_loop3A_293 {add = true, strides = array<i32>} : memref<8x2048xf32, #tpu.memory_space<vmem>>, vector<1x16xf32>,
        %parallel_loop3A_294 = arith.constant 16 : i32
        %parallel_loop3A_295 = arith.muli %parallel_loop3A_263, %parallel_loop3A_294 : i32
        %parallel_loop3A_296 = arith.constant 3 : i32
        %parallel_loop3A_297 = arith.index_cast %parallel_loop3A_296 : i32 to index
        %parallel_loop3A_298 = arith.index_cast %parallel_loop3A_295 : i32 to index
        %parallel_loop3A_299 = tpu.vector_load %arg8[%parallel_loop3A_297, %parallel_loop3A_298] {strides = array<i32>} : memref<8x2048xf32, #tpu.memory_space<vmem>>, vector<1x16xf32>,
        %parallel_loop3A_300 = vector.shape_cast %parallel_loop3A_299 : vector<1x16xf32> to vector<16xf32>
        %parallel_loop3A_301 = vector.shape_cast %parallel_loop3A_269 : vector<16xf32> to vector<1x16xf32>
        tpu.vector_store %arg8[%parallel_loop3A_297, %parallel_loop3A_298], %parallel_loop3A_301 {add = true, strides = array<i32>} : memref<8x2048xf32, #tpu.memory_space<vmem>>, vector<1x16xf32>,
        %parallel_loop3A_302 = arith.constant 16 : i32
        %parallel_loop3A_303 = arith.muli %parallel_loop3A_263, %parallel_loop3A_302 : i32
        %parallel_loop3A_304 = arith.constant 4 : i32
        %parallel_loop3A_305 = arith.index_cast %parallel_loop3A_304 : i32 to index
        %parallel_loop3A_306 = arith.index_cast %parallel_loop3A_303 : i32 to index
        %parallel_loop3A_307 = tpu.vector_load %arg8[%parallel_loop3A_305, %parallel_loop3A_306] {strides = array<i32>} : memref<8x2048xf32, #tpu.memory_space<vmem>>, vector<1x16xf32>,
        %parallel_loop3A_308 = vector.shape_cast %parallel_loop3A_307 : vector<1x16xf32> to vector<16xf32>
        %parallel_loop3A_309 = vector.shape_cast %parallel_loop3A_269 : vector<16xf32> to vector<1x16xf32>
        tpu.vector_store %arg8[%parallel_loop3A_305, %parallel_loop3A_306], %parallel_loop3A_309 {add = true, strides = array<i32>} : memref<8x2048xf32, #tpu.memory_space<vmem>>, vector<1x16xf32>,
        %parallel_loop3A_310 = arith.constant 16 : i32
        %parallel_loop3A_311 = arith.muli %parallel_loop3A_263, %parallel_loop3A_310 : i32
        %parallel_loop3A_312 = arith.constant 5 : i32
        %parallel_loop3A_313 = arith.index_cast %parallel_loop3A_312 : i32 to index
        %parallel_loop3A_314 = arith.index_cast %parallel_loop3A_311 : i32 to index
        %parallel_loop3A_315 = tpu.vector_load %arg8[%parallel_loop3A_313, %parallel_loop3A_314] {strides = array<i32>} : memref<8x2048xf32, #tpu.memory_space<vmem>>, vector<1x16xf32>,
        %parallel_loop3A_316 = vector.shape_cast %parallel_loop3A_315 : vector<1x16xf32> to vector<16xf32>
        %parallel_loop3A_317 = vector.shape_cast %parallel_loop3A_269 : vector<16xf32> to vector<1x16xf32>
        tpu.vector_store %arg8[%parallel_loop3A_313, %parallel_loop3A_314], %parallel_loop3A_317 {add = true, strides = array<i32>} : memref<8x2048xf32, #tpu.memory_space<vmem>>, vector<1x16xf32>,
        %parallel_loop3A_318 = arith.constant 16 : i32
        %parallel_loop3A_319 = arith.muli %parallel_loop3A_263, %parallel_loop3A_318 : i32
        %parallel_loop3A_320 = arith.constant 6 : i32
        %parallel_loop3A_321 = arith.index_cast %parallel_loop3A_320 : i32 to index
        %parallel_loop3A_322 = arith.index_cast %parallel_loop3A_319 : i32 to index
        %parallel_loop3A_323 = tpu.vector_load %arg8[%parallel_loop3A_321, %parallel_loop3A_322] {strides = array<i32>} : memref<8x2048xf32, #tpu.memory_space<vmem>>, vector<1x16xf32>,
        %parallel_loop3A_324 = vector.shape_cast %parallel_loop3A_323 : vector<1x16xf32> to vector<16xf32>
        %parallel_loop3A_325 = vector.shape_cast %parallel_loop3A_269 : vector<16xf32> to vector<1x16xf32>
        tpu.vector_store %arg8[%parallel_loop3A_321, %parallel_loop3A_322], %parallel_loop3A_325 {add = true, strides = array<i32>} : memref<8x2048xf32, #tpu.memory_space<vmem>>, vector<1x16xf32>,
        %parallel_loop3A_326 = arith.constant 16 : i32
        %parallel_loop3A_327 = arith.muli %parallel_loop3A_263, %parallel_loop3A_326 : i32
        %parallel_loop3A_328 = arith.constant 7 : i32
        %parallel_loop3A_329 = arith.index_cast %parallel_loop3A_328 : i32 to index
        %parallel_loop3A_330 = arith.index_cast %parallel_loop3A_327 : i32 to index
        %parallel_loop3A_331 = tpu.vector_load %arg8[%parallel_loop3A_329, %parallel_loop3A_330] {strides = array<i32>} : memref<8x2048xf32, #tpu.memory_space<vmem>>, vector<1x16xf32>,
        %parallel_loop3A_332 = vector.shape_cast %parallel_loop3A_331 : vector<1x16xf32> to vector<16xf32>
        %parallel_loop3A_333 = vector.shape_cast %parallel_loop3A_269 : vector<16xf32> to vector<1x16xf32>
        tpu.vector_store %arg8[%parallel_loop3A_329, %parallel_loop3A_330], %parallel_loop3A_333 {add = true, strides = array<i32>} : memref<8x2048xf32, #tpu.memory_space<vmem>>, vector<1x16xf32>,
      } {sc.loop_unroll_factor = 4 : i64, sc.parallel_access}
      %mul3A_187 = arith.constant 8 : i32
      %mul3A_188 = arith.muli %add3A_152, %mul3A_187 : i32
      %add3A_189 = arith.addi %mul3A_2, %mul3A_188 : i32
      %dma_start3A_190 = arith.constant 0 : i32
      %dma_start3A_191 = tpu.memref_slice %arg4[%add3A_189, %dma_start3A_190] : memref<16384x2048xf32, #tpu.memory_space<hbm>> -> memref<8x2048xf32, #tpu.memory_space<hbm>>
      %dma_start3A_192 = arith.constant 0 : i32
      %dma_start3A_193 = tpu.memref_slice %arg4[%add3A_189, %dma_start3A_192] : memref<16384x2048xf32, #tpu.memory_space<hbm>> -> memref<8x2048xf32, #tpu.memory_space<hbm>>
      tpu.enqueue_dma source(%arg8 : memref<8x2048xf32, #tpu.memory_space<vmem>>) target(%dma_start3A_193 : memref<8x2048xf32, #tpu.memory_space<hbm>>) target_semaphore(%arg16 : memref<!tpu.dma_semaphore, #tpu.memory_space<semaphore_mem>>)
      %ge3A_194 = arith.constant 2 : i32
      %ge3A_195 = arith.cmpi sge, %add3A_152, %ge3A_194 : i32
      %convert_element_type3A_196 = arith.extui %ge3A_195 : i1 to i32
      %cond3A_197 = arith.constant 0 : i32
      %cond3A_198 = arith.cmpi ne, %convert_element_type3A_196, %cond3A_197 : i32
      scf.if %cond3A_198 {
        %dma_wait3A_263 = arith.constant 0 : i32
        %dma_wait3A_264 = arith.constant 0 : i32
        %dma_wait3A_265 = tpu.memref_slice %arg4[%dma_wait3A_263, %dma_wait3A_264] : memref<16384x2048xf32, #tpu.memory_space<hbm>> -> memref<8x2048xf32, #tpu.memory_space<hbm>>
        %dma_wait3A_266 = arith.constant 0 : i32
        %dma_wait3A_267 = arith.constant 0 : i32
        %dma_wait3A_268 = tpu.memref_slice %arg4[%dma_wait3A_266, %dma_wait3A_267] : memref<16384x2048xf32, #tpu.memory_space<hbm>> -> memref<8x2048xf32, #tpu.memory_space<hbm>>
        tpu.wait_dma2 semaphore(%arg14 : memref<!tpu.dma_semaphore, #tpu.memory_space<semaphore_mem>>) src(%arg6 : memref<8x2048xf32, #tpu.memory_space<vmem>>) dst(%dma_wait3A_268 : memref<8x2048xf32, #tpu.memory_space<hbm>>)
      } else {
      }
      %add3A_199 = arith.constant 2 : i32
      %add3A_200 = arith.addi %add3A_152, %add3A_199 : i32
      %lt3A_201 = arith.constant 64 : i32
      %lt3A_202 = arith.cmpi slt, %add3A_200, %lt3A_201 : i32
      %convert_element_type3A_203 = arith.extui %lt3A_202 : i1 to i32
      %cond3A_204 = arith.constant 0 : i32
      %cond3A_205 = arith.cmpi ne, %convert_element_type3A_203, %cond3A_204 : i32
      scf.if %cond3A_205 {
        %add3A_263 = arith.constant 2 : i32
        %add3A_264 = arith.addi %add3A_152, %add3A_263 : i32
        %mul3A_265 = arith.constant 8 : i32
        %mul3A_266 = arith.muli %add3A_264, %mul3A_265 : i32
        %add3A_267 = arith.addi %mul3A_2, %mul3A_266 : i32
        %dma_start3A_268 = arith.constant 0 : i32
        %dma_start3A_269 = tpu.memref_slice %arg2[%add3A_267, %dma_start3A_268] : memref<16384x2048xf32, #tpu.memory_space<hbm>> -> memref<8x2048xf32, #tpu.memory_space<hbm>>
        %dma_start3A_270 = arith.constant 0 : i32
        %dma_start3A_271 = tpu.memref_slice %arg2[%add3A_267, %dma_start3A_270] : memref<16384x2048xf32, #tpu.memory_space<hbm>> -> memref<8x2048xf32, #tpu.memory_space<hbm>>
        tpu.enqueue_dma source(%dma_start3A_271 : memref<8x2048xf32, #tpu.memory_space<hbm>>) target(%arg6 : memref<8x2048xf32, #tpu.memory_space<vmem>>) target_semaphore(%arg10 : memref<!tpu.dma_semaphore, #tpu.memory_space<semaphore_mem>>)
      } else {
      }
      %mul3A_206 = arith.constant 4 : i32
      %mul3A_207 = arith.muli %scan3A_41, %mul3A_206 : i32
      %add3A_208 = arith.constant 3 : i32
      %add3A_209 = arith.addi %mul3A_207, %add3A_208 : i32
      %dma_wait3A_210 = arith.constant 0 : i32
      %dma_wait3A_211 = arith.constant 0 : i32
      %dma_wait3A_212 = tpu.memref_slice %arg2[%dma_wait3A_210, %dma_wait3A_211] : memref<16384x2048xf32, #tpu.memory_space<hbm>> -> memref<8x2048xf32, #tpu.memory_space<hbm>>
      %dma_wait3A_213 = arith.constant 0 : i32
      %dma_wait3A_214 = arith.constant 0 : i32
      %dma_wait3A_215 = tpu.memref_slice %arg2[%dma_wait3A_213, %dma_wait3A_214] : memref<16384x2048xf32, #tpu.memory_space<hbm>> -> memref<8x2048xf32, #tpu.memory_space<hbm>>
      tpu.wait_dma2 semaphore(%arg13 : memref<!tpu.dma_semaphore, #tpu.memory_space<semaphore_mem>>) src(%dma_wait3A_215 : memref<8x2048xf32, #tpu.memory_space<hbm>>) dst(%arg9 : memref<8x2048xf32, #tpu.memory_space<vmem>>)
      %jit3A_216 = arith.constant 32 : i32
      %div3A_217 = arith.divsi %add3A_209, %jit3A_216 : i32
      %sign3A_218 = arith.constant 0 : i32
      %sign3A_219 = arith.cmpi sgt, %add3A_209, %sign3A_218 : i32
      %sign3A_220 = arith.extui %sign3A_219 : i1 to i32
      %sign3A_221 = arith.constant 0 : i32
      %sign3A_222 = arith.cmpi slt, %add3A_209, %sign3A_221 : i32
      %sign3A_223 = arith.extui %sign3A_222 : i1 to i32
      %sign3A_224 = arith.subi %sign3A_220, %sign3A_223 : i32
      %sign3A_225 = arith.constant 0 : i32
      %sign3A_226 = arith.cmpi sgt, %jit3A_216, %sign3A_225 : i32
      %sign3A_227 = arith.extui %sign3A_226 : i1 to i32
      %sign3A_228 = arith.constant 0 : i32
      %sign3A_229 = arith.cmpi slt, %jit3A_216, %sign3A_228 : i32
      %sign3A_230 = arith.extui %sign3A_229 : i1 to i32
      %sign3A_231 = arith.subi %sign3A_227, %sign3A_230 : i32
      %ne3A_232 = arith.cmpi ne, %sign3A_224, %sign3A_231 : i32
      %rem3A_233 = arith.remsi %add3A_209, %jit3A_216 : i32
      %ne3A_234 = arith.constant 0 : i32
      %ne3A_235 = arith.cmpi ne, %rem3A_233, %ne3A_234 : i32
      %and3A_236 = arith.andi %ne3A_232, %ne3A_235 : i1
      %sub3A_237 = arith.constant 1 : i32
      %sub3A_238 = arith.subi %div3A_217, %sub3A_237 : i32
      %select_n3A_239 = arith.select %and3A_236, %sub3A_238, %div3A_217 : i32
      %add3A_240 = arith.addi %mul3A_13, %select_n3A_239 : i32
      %parallel_loop3A_241 = arith.constant 0 : i32
      %parallel_loop3A_242 = arith.constant 128 : i32
      %parallel_loop3A_243 = arith.constant 1 : i32
      scf.for %parallel_loop3A_263 = %parallel_loop3A_241 to %parallel_loop3A_242 step %parallel_loop3A_243  : i32 {
        %parallel_loop3A_264 = arith.constant 16 : i32
        %parallel_loop3A_265 = arith.muli %parallel_loop3A_263, %parallel_loop3A_264 : i32
        %parallel_loop3A_266 = arith.index_cast %add3A_240 : i32 to index
        %parallel_loop3A_267 = arith.index_cast %parallel_loop3A_265 : i32 to index
        %parallel_loop3A_268 = tpu.vector_load %arg5[%parallel_loop3A_266, %parallel_loop3A_267] {strides = array<i32>} : memref<16x2048xf32, #tpu.memory_space<vmem>>, vector<1x16xf32>,
        %parallel_loop3A_269 = vector.shape_cast %parallel_loop3A_268 : vector<1x16xf32> to vector<16xf32>
        %parallel_loop3A_270 = arith.constant 16 : i32
        %parallel_loop3A_271 = arith.muli %parallel_loop3A_263, %parallel_loop3A_270 : i32
        %parallel_loop3A_272 = arith.constant 0 : i32
        %parallel_loop3A_273 = arith.index_cast %parallel_loop3A_272 : i32 to index
        %parallel_loop3A_274 = arith.index_cast %parallel_loop3A_271 : i32 to index
        %parallel_loop3A_275 = tpu.vector_load %arg9[%parallel_loop3A_273, %parallel_loop3A_274] {strides = array<i32>} : memref<8x2048xf32, #tpu.memory_space<vmem>>, vector<1x16xf32>,
        %parallel_loop3A_276 = vector.shape_cast %parallel_loop3A_275 : vector<1x16xf32> to vector<16xf32>
        %parallel_loop3A_277 = vector.shape_cast %parallel_loop3A_269 : vector<16xf32> to vector<1x16xf32>
        tpu.vector_store %arg9[%parallel_loop3A_273, %parallel_loop3A_274], %parallel_loop3A_277 {add = true, strides = array<i32>} : memref<8x2048xf32, #tpu.memory_space<vmem>>, vector<1x16xf32>,
        %parallel_loop3A_278 = arith.constant 16 : i32
        %parallel_loop3A_279 = arith.muli %parallel_loop3A_263, %parallel_loop3A_278 : i32
        %parallel_loop3A_280 = arith.constant 1 : i32
        %parallel_loop3A_281 = arith.index_cast %parallel_loop3A_280 : i32 to index
        %parallel_loop3A_282 = arith.index_cast %parallel_loop3A_279 : i32 to index
        %parallel_loop3A_283 = tpu.vector_load %arg9[%parallel_loop3A_281, %parallel_loop3A_282] {strides = array<i32>} : memref<8x2048xf32, #tpu.memory_space<vmem>>, vector<1x16xf32>,
        %parallel_loop3A_284 = vector.shape_cast %parallel_loop3A_283 : vector<1x16xf32> to vector<16xf32>
        %parallel_loop3A_285 = vector.shape_cast %parallel_loop3A_269 : vector<16xf32> to vector<1x16xf32>
        tpu.vector_store %arg9[%parallel_loop3A_281, %parallel_loop3A_282], %parallel_loop3A_285 {add = true, strides = array<i32>} : memref<8x2048xf32, #tpu.memory_space<vmem>>, vector<1x16xf32>,
        %parallel_loop3A_286 = arith.constant 16 : i32
        %parallel_loop3A_287 = arith.muli %parallel_loop3A_263, %parallel_loop3A_286 : i32
        %parallel_loop3A_288 = arith.constant 2 : i32
        %parallel_loop3A_289 = arith.index_cast %parallel_loop3A_288 : i32 to index
        %parallel_loop3A_290 = arith.index_cast %parallel_loop3A_287 : i32 to index
        %parallel_loop3A_291 = tpu.vector_load %arg9[%parallel_loop3A_289, %parallel_loop3A_290] {strides = array<i32>} : memref<8x2048xf32, #tpu.memory_space<vmem>>, vector<1x16xf32>,
        %parallel_loop3A_292 = vector.shape_cast %parallel_loop3A_291 : vector<1x16xf32> to vector<16xf32>
        %parallel_loop3A_293 = vector.shape_cast %parallel_loop3A_269 : vector<16xf32> to vector<1x16xf32>
        tpu.vector_store %arg9[%parallel_loop3A_289, %parallel_loop3A_290], %parallel_loop3A_293 {add = true, strides = array<i32>} : memref<8x2048xf32, #tpu.memory_space<vmem>>, vector<1x16xf32>,
        %parallel_loop3A_294 = arith.constant 16 : i32
        %parallel_loop3A_295 = arith.muli %parallel_loop3A_263, %parallel_loop3A_294 : i32
        %parallel_loop3A_296 = arith.constant 3 : i32
        %parallel_loop3A_297 = arith.index_cast %parallel_loop3A_296 : i32 to index
        %parallel_loop3A_298 = arith.index_cast %parallel_loop3A_295 : i32 to index
        %parallel_loop3A_299 = tpu.vector_load %arg9[%parallel_loop3A_297, %parallel_loop3A_298] {strides = array<i32>} : memref<8x2048xf32, #tpu.memory_space<vmem>>, vector<1x16xf32>,
        %parallel_loop3A_300 = vector.shape_cast %parallel_loop3A_299 : vector<1x16xf32> to vector<16xf32>
        %parallel_loop3A_301 = vector.shape_cast %parallel_loop3A_269 : vector<16xf32> to vector<1x16xf32>
        tpu.vector_store %arg9[%parallel_loop3A_297, %parallel_loop3A_298], %parallel_loop3A_301 {add = true, strides = array<i32>} : memref<8x2048xf32, #tpu.memory_space<vmem>>, vector<1x16xf32>,
        %parallel_loop3A_302 = arith.constant 16 : i32
        %parallel_loop3A_303 = arith.muli %parallel_loop3A_263, %parallel_loop3A_302 : i32
        %parallel_loop3A_304 = arith.constant 4 : i32
        %parallel_loop3A_305 = arith.index_cast %parallel_loop3A_304 : i32 to index
        %parallel_loop3A_306 = arith.index_cast %parallel_loop3A_303 : i32 to index
        %parallel_loop3A_307 = tpu.vector_load %arg9[%parallel_loop3A_305, %parallel_loop3A_306] {strides = array<i32>} : memref<8x2048xf32, #tpu.memory_space<vmem>>, vector<1x16xf32>,
        %parallel_loop3A_308 = vector.shape_cast %parallel_loop3A_307 : vector<1x16xf32> to vector<16xf32>
        %parallel_loop3A_309 = vector.shape_cast %parallel_loop3A_269 : vector<16xf32> to vector<1x16xf32>
        tpu.vector_store %arg9[%parallel_loop3A_305, %parallel_loop3A_306], %parallel_loop3A_309 {add = true, strides = array<i32>} : memref<8x2048xf32, #tpu.memory_space<vmem>>, vector<1x16xf32>,
        %parallel_loop3A_310 = arith.constant 16 : i32
        %parallel_loop3A_311 = arith.muli %parallel_loop3A_263, %parallel_loop3A_310 : i32
        %parallel_loop3A_312 = arith.constant 5 : i32
        %parallel_loop3A_313 = arith.index_cast %parallel_loop3A_312 : i32 to index
        %parallel_loop3A_314 = arith.index_cast %parallel_loop3A_311 : i32 to index
        %parallel_loop3A_315 = tpu.vector_load %arg9[%parallel_loop3A_313, %parallel_loop3A_314] {strides = array<i32>} : memref<8x2048xf32, #tpu.memory_space<vmem>>, vector<1x16xf32>,
        %parallel_loop3A_316 = vector.shape_cast %parallel_loop3A_315 : vector<1x16xf32> to vector<16xf32>
        %parallel_loop3A_317 = vector.shape_cast %parallel_loop3A_269 : vector<16xf32> to vector<1x16xf32>
        tpu.vector_store %arg9[%parallel_loop3A_313, %parallel_loop3A_314], %parallel_loop3A_317 {add = true, strides = array<i32>} : memref<8x2048xf32, #tpu.memory_space<vmem>>, vector<1x16xf32>,
        %parallel_loop3A_318 = arith.constant 16 : i32
        %parallel_loop3A_319 = arith.muli %parallel_loop3A_263, %parallel_loop3A_318 : i32
        %parallel_loop3A_320 = arith.constant 6 : i32
        %parallel_loop3A_321 = arith.index_cast %parallel_loop3A_320 : i32 to index
        %parallel_loop3A_322 = arith.index_cast %parallel_loop3A_319 : i32 to index
        %parallel_loop3A_323 = tpu.vector_load %arg9[%parallel_loop3A_321, %parallel_loop3A_322] {strides = array<i32>} : memref<8x2048xf32, #tpu.memory_space<vmem>>, vector<1x16xf32>,
        %parallel_loop3A_324 = vector.shape_cast %parallel_loop3A_323 : vector<1x16xf32> to vector<16xf32>
        %parallel_loop3A_325 = vector.shape_cast %parallel_loop3A_269 : vector<16xf32> to vector<1x16xf32>
        tpu.vector_store %arg9[%parallel_loop3A_321, %parallel_loop3A_322], %parallel_loop3A_325 {add = true, strides = array<i32>} : memref<8x2048xf32, #tpu.memory_space<vmem>>, vector<1x16xf32>,
        %parallel_loop3A_326 = arith.constant 16 : i32
        %parallel_loop3A_327 = arith.muli %parallel_loop3A_263, %parallel_loop3A_326 : i32
        %parallel_loop3A_328 = arith.constant 7 : i32
        %parallel_loop3A_329 = arith.index_cast %parallel_loop3A_328 : i32 to index
        %parallel_loop3A_330 = arith.index_cast %parallel_loop3A_327 : i32 to index
        %parallel_loop3A_331 = tpu.vector_load %arg9[%parallel_loop3A_329, %parallel_loop3A_330] {strides = array<i32>} : memref<8x2048xf32, #tpu.memory_space<vmem>>, vector<1x16xf32>,
        %parallel_loop3A_332 = vector.shape_cast %parallel_loop3A_331 : vector<1x16xf32> to vector<16xf32>
        %parallel_loop3A_333 = vector.shape_cast %parallel_loop3A_269 : vector<16xf32> to vector<1x16xf32>
        tpu.vector_store %arg9[%parallel_loop3A_329, %parallel_loop3A_330], %parallel_loop3A_333 {add = true, strides = array<i32>} : memref<8x2048xf32, #tpu.memory_space<vmem>>, vector<1x16xf32>,
      } {sc.loop_unroll_factor = 4 : i64, sc.parallel_access}
      %mul3A_244 = arith.constant 8 : i32
      %mul3A_245 = arith.muli %add3A_209, %mul3A_244 : i32
      %add3A_246 = arith.addi %mul3A_2, %mul3A_245 : i32
      %dma_start3A_247 = arith.constant 0 : i32
      %dma_start3A_248 = tpu.memref_slice %arg4[%add3A_246, %dma_start3A_247] : memref<16384x2048xf32, #tpu.memory_space<hbm>> -> memref<8x2048xf32, #tpu.memory_space<hbm>>
      %dma_start3A_249 = arith.constant 0 : i32
      %dma_start3A_250 = tpu.memref_slice %arg4[%add3A_246, %dma_start3A_249] : memref<16384x2048xf32, #tpu.memory_space<hbm>> -> memref<8x2048xf32, #tpu.memory_space<hbm>>
      tpu.enqueue_dma source(%arg9 : memref<8x2048xf32, #tpu.memory_space<vmem>>) target(%dma_start3A_250 : memref<8x2048xf32, #tpu.memory_space<hbm>>) target_semaphore(%arg17 : memref<!tpu.dma_semaphore, #tpu.memory_space<semaphore_mem>>)
      %ge3A_251 = arith.constant 2 : i32
      %ge3A_252 = arith.cmpi sge, %add3A_209, %ge3A_251 : i32
      %convert_element_type3A_253 = arith.extui %ge3A_252 : i1 to i32
      %cond3A_254 = arith.constant 0 : i32
      %cond3A_255 = arith.cmpi ne, %convert_element_type3A_253, %cond3A_254 : i32
      scf.if %cond3A_255 {
        %dma_wait3A_263 = arith.constant 0 : i32
        %dma_wait3A_264 = arith.constant 0 : i32
        %dma_wait3A_265 = tpu.memref_slice %arg4[%dma_wait3A_263, %dma_wait3A_264] : memref<16384x2048xf32, #tpu.memory_space<hbm>> -> memref<8x2048xf32, #tpu.memory_space<hbm>>
        %dma_wait3A_266 = arith.constant 0 : i32
        %dma_wait3A_267 = arith.constant 0 : i32
        %dma_wait3A_268 = tpu.memref_slice %arg4[%dma_wait3A_266, %dma_wait3A_267] : memref<16384x2048xf32, #tpu.memory_space<hbm>> -> memref<8x2048xf32, #tpu.memory_space<hbm>>
        tpu.wait_dma2 semaphore(%arg15 : memref<!tpu.dma_semaphore, #tpu.memory_space<semaphore_mem>>) src(%arg7 : memref<8x2048xf32, #tpu.memory_space<vmem>>) dst(%dma_wait3A_268 : memref<8x2048xf32, #tpu.memory_space<hbm>>)
      } else {
      }
      %add3A_256 = arith.constant 2 : i32
      %add3A_257 = arith.addi %add3A_209, %add3A_256 : i32
      %lt3A_258 = arith.constant 64 : i32
      %lt3A_259 = arith.cmpi slt, %add3A_257, %lt3A_258 : i32
      %convert_element_type3A_260 = arith.extui %lt3A_259 : i1 to i32
      %cond3A_261 = arith.constant 0 : i32
      %cond3A_262 = arith.cmpi ne, %convert_element_type3A_260, %cond3A_261 : i32
      scf.if %cond3A_262 {
        %add3A_263 = arith.constant 2 : i32
        %add3A_264 = arith.addi %add3A_209, %add3A_263 : i32
        %mul3A_265 = arith.constant 8 : i32
        %mul3A_266 = arith.muli %add3A_264, %mul3A_265 : i32
        %add3A_267 = arith.addi %mul3A_2, %mul3A_266 : i32
        %dma_start3A_268 = arith.constant 0 : i32
        %dma_start3A_269 = tpu.memref_slice %arg2[%add3A_267, %dma_start3A_268] : memref<16384x2048xf32, #tpu.memory_space<hbm>> -> memref<8x2048xf32, #tpu.memory_space<hbm>>
        %dma_start3A_270 = arith.constant 0 : i32
        %dma_start3A_271 = tpu.memref_slice %arg2[%add3A_267, %dma_start3A_270] : memref<16384x2048xf32, #tpu.memory_space<hbm>> -> memref<8x2048xf32, #tpu.memory_space<hbm>>
        tpu.enqueue_dma source(%dma_start3A_271 : memref<8x2048xf32, #tpu.memory_space<hbm>>) target(%arg7 : memref<8x2048xf32, #tpu.memory_space<vmem>>) target_semaphore(%arg11 : memref<!tpu.dma_semaphore, #tpu.memory_space<semaphore_mem>>)
      } else {
      }
    }
    %scan3A_29 = arith.constant 16 : i32
    %dma_wait3A = arith.constant 0 : i32
    %dma_wait3A_30 = arith.constant 0 : i32
    %dma_wait3A_31 = tpu.memref_slice %arg4[%dma_wait3A, %dma_wait3A_30] : memref<16384x2048xf32, #tpu.memory_space<hbm>> -> memref<8x2048xf32, #tpu.memory_space<hbm>>
    %dma_wait3A_32 = arith.constant 0 : i32
    %dma_wait3A_33 = arith.constant 0 : i32
    %dma_wait3A_34 = tpu.memref_slice %arg4[%dma_wait3A_32, %dma_wait3A_33] : memref<16384x2048xf32, #tpu.memory_space<hbm>> -> memref<8x2048xf32, #tpu.memory_space<hbm>>
    tpu.wait_dma2 semaphore(%arg16 : memref<!tpu.dma_semaphore, #tpu.memory_space<semaphore_mem>>) src(%arg8 : memref<8x2048xf32, #tpu.memory_space<vmem>>) dst(%dma_wait3A_34 : memref<8x2048xf32, #tpu.memory_space<hbm>>)
    %dma_wait3A_35 = arith.constant 0 : i32
    %dma_wait3A_36 = arith.constant 0 : i32
    %dma_wait3A_37 = tpu.memref_slice %arg4[%dma_wait3A_35, %dma_wait3A_36] : memref<16384x2048xf32, #tpu.memory_space<hbm>> -> memref<8x2048xf32, #tpu.memory_space<hbm>>
    %dma_wait3A_38 = arith.constant 0 : i32
    %dma_wait3A_39 = arith.constant 0 : i32
    %dma_wait3A_40 = tpu.memref_slice %arg4[%dma_wait3A_38, %dma_wait3A_39] : memref<16384x2048xf32, #tpu.memory_space<hbm>> -> memref<8x2048xf32, #tpu.memory_space<hbm>>
    tpu.wait_dma2 semaphore(%arg17 : memref<!tpu.dma_semaphore, #tpu.memory_space<semaphore_mem>>) src(%arg9 : memref<8x2048xf32, #tpu.memory_space<vmem>>) dst(%dma_wait3A_40 : memref<8x2048xf32, #tpu.memory_space<hbm>>)
    return
  }
}

</mosaic_0001>

<sc_bundles>
// kernel: kernel.3.cloned.1.call-start
scs
__scs_entry_jumppad:
0x0: {  	(pc) =	sbr.rel $0x88, $3  }
0x1: {  	(tag) =	ssettag $0x0;
	lr =	simm.s32 $0x1  }
0x2: {  	[smem:$0x3F9F] =	sst lr;
	_ =	strace $0xD0000000  }
0x3: {  	_ = 	snop  }
0x4: {  	_ = 	snop  }
0x5: {  	_ = 	snop  }
0x6: {  	_ = 	snop  }
0x7: {  	_ = 	snop  }
__scs_overlays_trampoline_lowered:
0x8: {  	[smem:$0x3FAE] =	sst s0  }
0x9: {  	[smem:$0x3FAF] =	sst s1  }
0xa: {  	[smem:$0x3FB0] =	sst s2  }
0xb: {  	[smem:$0x3FB1] =	sst s3  }
0xc: {  	[smem:$0x3FB2] =	sst s4  }
0xd: {  	[smem:$0x3FB3] =	sst s5  }
0xe: {  	[smem:$0x3FB4] =	sst s6  }
0xf: {  	[smem:$0x3FB5] =	sst s7  }
0x10: {  	[smem:$0x3FB6] =	sst s8  }
0x11: {  	[smem:$0x3FB7] =	sst s9;
	s0 =	simm.s32 @!p0 $0x0  }
0x12: {  	s1 =	sld [smem:$0x3F9D];
	s0 =	simm.s32 @p0 $0x1  }
0x13: {  	[smem:$0x3FB8] =	sst s0;
	s0 =	simm.s32 @!p1 $0x0  }
0x14: {  	s2 =	sld [smem:$0x3F9C];
	s0 =	simm.s32 @p1 $0x1  }
0x15: {  	[smem:$0x3FB9] =	sst s0;
	s0 =	simm.s32 @!p2 $0x0  }
0x16: {  	s3 =	sld [smem:$0x3FDB];
	s0 =	simm.s32 @p2 $0x1  }
0x17: {  	s4 =	simm.s32 $0x1BF5;
	[smem:$0x3FBB] =	sst s0  }
0x18: {  	s0 =	sld [smem:$0x3F9E];
	_ =	swait.ge [sflag:s4], $0x0  }
0x19: {  	s7 =	sld [smem:$0x3F9F]  }
0x1a: {  	s8 =	sadd.s32 $0xFFFFE003, lr  }
0x1b: {  	s9 =	sadd.s32 $0xFFFFFEF7, lr;
	s5 =	simm.s32 $0xFFFFFFFF;
	p2 =	slt.u32 s8, $0xFFFFF086  }
0x1c: {  	p1 =	slt.u32 s9, $0xF7A;
	s5 =	simm.s32 @!p2 $0x0  }
0x1d: {  	s5 =	simm.s32 @p1 $0x1;
	p0 =	seq.s32 s7, s2  }
0x1e: {  	s7 =	smul.u32 @!p0 $0xF7A, s2;
	p2 =	seq.s32 @!p0 s5, $0x0  }
0x1f: {  	s9 =	smul.u32 $0xF7A, s1;
	s8 =	simm.s32 @!p0 $0x1BF5;
	p2 =	por !p2, p0  }
0x20: {  	[sflag:s8] =	ssyncset.s32 @!p0 $0xFFFFF086;
	s6 =	sadd.s32 @!p0 s3, s7;
	s7 =	simm.s32 @!p0 $0x108  }
0x21: {  	s3 =	sadd.s32 s3, s9;
	s6 =	sadd.s32 @!p0 $0x88, s6;
	s7 =	simm.s32 @p2 $0x1082  }
0x22: {  	[simem:s7], [sflag:s8] =	dma.local @!p0 [hbm:s6], $0xF7A  }
0x23: {  	s9 =	sor.u32 $0xD0000000, s2;
	s6 =	simm.s32 $0x108;
	_ =	swait.ge @!p0 [sflag:s8], $0x0  }
0x24: {  	s3 =	sadd.s32 $0x88, s3;
	s6 =	simm.s32 @!p1 $0x1082;
	[sflag:s4] =	ssyncset.s32 $0xFFFFF086  }
0x25: {  	[simem:s6], [sflag:s4] =	dma.local [hbm:s3], $0xF7A  }
0x26: {  	[smem:$0x3F9F] =	sst s1;
	(tag) =	ssettag s2;
	_ =	strace s9  }
0x27: {  	s1 =	sld [smem:$0x3FAF]  }
0x28: {  	s2 =	sld [smem:$0x3FB0]  }
0x29: {  	s4 =	sld [smem:$0x3FB2]  }
0x2a: {  	p0 =	seq.s32 s5, $0x0;
	s5 =	sld [smem:$0x3FB3]  }
0x2b: {  	s6 =	sld [smem:$0x3FB4]  }
0x2c: {  	s7 =	sld [smem:$0x3FB5]  }
0x2d: {  	s3 =	simm.s32 $0x108;
	s8 =	sld [smem:$0x3FB6]  }
0x2e: {  	s3 =	simm.s32 @!p0 $0x1082;
	s9 =	sld [smem:$0x3FB7]  }
0x2f: {  	lr =	sadd.s32 s0, s3;
	s0 =	sld [smem:$0x3FAE]  }
0x30: {  	s3 =	sld [smem:$0x3FB1]  }
0x31: {  	[smem:$0x3FBA] =	sst s10  }
0x32: {  	s10 =	sld [smem:$0x3FB8];
	_ =	sdelay $0x3  }
0x33: {  	p0 =	seq.s32 s10, $0x1;
	s10 =	sld [smem:$0x3FBA];
	_ =	sdelay $0x3  }
0x34: {  	[smem:$0x3FBA] =	sst s10  }
0x35: {  	s10 =	sld [smem:$0x3FB9];
	_ =	sdelay $0x3  }
0x36: {  	p1 =	seq.s32 s10, $0x1;
	s10 =	sld [smem:$0x3FBA];
	_ =	sdelay $0x3  }
0x37: {  	[smem:$0x3FBA] =	sst s10  }
0x38: {  	s10 =	sld [smem:$0x3FBB]  }
0x39: {  	_ = 	snop;
	(pc) =	sbr.ind lr, $3  }
0x3a: {  	_ = 	snop  }
0x3b: {  	_ = 	snop  }
0x3c: {  	p2 =	seq.s32 s10, $0x1;
	s10 =	sld [smem:$0x3FBA]  }
0x3d: {  	_ =	shalt  }
0x3e: {  	_ =	shalt  }
0x3f: {  	_ =	shalt  }
0x40: {  	_ =	shalt  }
0x41: {  	_ =	shalt  }
0x42: {  	_ =	shalt  }
0x43: {  	_ =	shalt  }
0x44: {  	_ =	shalt  }
0x45: {  	_ =	shalt  }
0x46: {  	_ =	shalt  }
0x47: {  	_ =	shalt  }
0x48: {  	_ =	shalt  }
0x49: {  	_ =	shalt  }
0x4a: {  	_ =	shalt  }
0x4b: {  	_ =	shalt  }
0x4c: {  	_ =	shalt  }
0x4d: {  	_ =	shalt  }
0x4e: {  	_ =	shalt  }
0x4f: {  	_ =	shalt  }
0x50: {  	_ =	shalt  }
0x51: {  	_ =	shalt  }
0x52: {  	_ =	shalt  }
0x53: {  	_ =	shalt  }
0x54: {  	_ =	shalt  }
0x55: {  	_ =	shalt  }
0x56: {  	_ =	shalt  }
0x57: {  	_ =	shalt  }
0x58: {  	_ =	shalt  }
0x59: {  	_ =	shalt  }
0x5a: {  	_ =	shalt  }
0x5b: {  	_ =	shalt  }
0x5c: {  	_ =	shalt  }
0x5d: {  	_ =	shalt  }
0x5e: {  	_ =	shalt  }
0x5f: {  	_ =	shalt  }
0x60: {  	_ =	shalt  }
0x61: {  	_ =	shalt  }
0x62: {  	_ =	shalt  }
0x63: {  	_ =	shalt  }
0x64: {  	_ =	shalt  }
0x65: {  	_ =	shalt  }
0x66: {  	_ =	shalt  }
0x67: {  	_ =	shalt  }
0x68: {  	_ =	shalt  }
0x69: {  	_ =	shalt  }
0x6a: {  	_ =	shalt  }
0x6b: {  	_ =	shalt  }
0x6c: {  	_ =	shalt  }
0x6d: {  	_ =	shalt  }
0x6e: {  	_ =	shalt  }
0x6f: {  	_ =	shalt  }
0x70: {  	_ =	shalt  }
0x71: {  	_ =	shalt  }
0x72: {  	_ =	shalt  }
0x73: {  	_ =	shalt  }
0x74: {  	_ =	shalt  }
0x75: {  	_ =	shalt  }
0x76: {  	_ =	shalt  }
0x77: {  	_ =	shalt  }
0x78: {  	_ =	shalt  }
0x79: {  	_ =	shalt  }
0x7a: {  	_ =	shalt  }
0x7b: {  	_ =	shalt  }
0x7c: {  	_ =	shalt  }
0x7d: {  	_ =	shalt  }
0x7e: {  	_ =	shalt  }
0x7f: {  	_ =	shalt  }
0x80: {  	_ =	shalt  }
0x81: {  	_ =	shalt  }
0x82: {  	_ =	shalt  }
0x83: {  	_ =	shalt  }
0x84: {  	_ =	shalt  }
0x85: {  	_ =	shalt  }
0x86: {  	_ =	shalt  }
0x87: {  	_ =	shalt  }
.Lfunc_end0:
.L_simem_size_0:
called_computation_lowered:
.L_overlay_start_0:
0x88: {  	s2 =	sld [smem:$0x3FD9]  }
0x89: {  	s3 =	sld [smem:$0x3FFE];
	_ =	sdelay $0x1  }
0x8a: {  	s1 =	srdreg.scid  }
0x8b: {  	s0 =	sand.u32 $0x1, s1  }
0x8c: {  	s18 =	sshll.u32 s0, $0xA;
	s2 =	sadd.s32 s3, s2  }
0x8d: {  	s2 =	sadd.s32 s2, s18  }
0x8e: {  	[smem:$0x3FC6] =	sst s2  }
0x8f: {  	_ = 	snop  }
0x90: {  	s2 =	sld [smem:$0x3FC9]  }
0x91: {  	s19 =	sld [smem:$0x3FC8]  }
0x92: {  	s4 =	sld [smem:$0x3FD0];
	(tm) =	ssettm $0x1  }
0x93: {  	s5 =	sld [smem:$0x3FFB];
	_ =	sdelay $0x3  }
0x94: {  	_ =	strace s5  }
0x95: {  	s5 =	sld [smem:$0x3FFC];
	_ =	sdelay $0x3  }
0x96: {  	_ =	strace s5  }
0x97: {  	s5 =	sld [smem:$0x3FFD];
	_ =	sdelay $0x3  }
0x98: {  	_ =	strace s5  }
0x99: {  	_ =	strace $0x8FFFFFFF  }
0x9a: {  	s20 =	sld [smem:$0x3FDB];
	_ =	sdelay $0x1  }
0x9b: {  	s6 =	simm.s32 $_scs_section_size  }
0x9c: {  	s7 =	simm.s32 $_size__tile_overlayer_lowered;
	s8 =	simm.s32 $_tile_overlayer_lowered  }
0x9d: {  	s23 =	simm.s32 $0x1BFF;
	s22 =	sshll.u32 s8, $0x1;
	s5 =	sadd.s32 s6, s20  }
0x9e: {  	s9 =	simm.s32 $0x0;
	s21 =	sshll.u32 s7, $0x1;
	s7 =	sadd.s32 s22, s5  }
0x9f: {  	[timem:s9], [sflag:s23] =	dma.local [hbm:s7], s21  }
0xa0: {  	_ =	swait.ge [sflag:s23], s21  }
0xa1: {  	s6 =	ssub.s32 $0x0, s21;
	[sflag:s23] =	ssyncset.done $0x0  }
0xa2: {  	[sflag:s23] =	ssyncadd.s32 s6;
	_ =	sdelay $0x1  }
0xa3: {  	s24 =	simm.s32 $0x1B8B  }
0xa4: {  	_ =	swait.ge [sflag:s24], $0x1  }
0xa5: {  	[sflag:s24] =	ssyncset.done $0x0  }
0xa6: {  	s25 =	simm.s32 $0x1B8E;
	[sflag:s24] =	ssyncadd.s32 $0xFFFFFFFF  }
0xa7: {  	s26 =	simm.s32 $execute0_lowered;
	[smem:$0x3FD2] =	sst s25  }
0xa8: {  	s6 =	sshll.u32 s26, $0x1;
	_ =	strace $0x80000046;
	[dreg:$0x1] =	wrdreg $0xFFFFFFFF  }
0xa9: {  	s28 =	simm.s32 $_size_execute0_lowered;
	s5 =	sadd.s32 s5, s6;
	[dreg:$0x0] =	wrdreg $0x0  }
0xaa: {  	s6 =	sshll.u32 s28, $0x1;
	[dreg:$0x2] =	wrdreg s5  }
0xab: {  	[dreg:$0x3] =	wrdreg s6  }
0xac: {  	[dreg:$0x4] =	wrdreg $0xC0  }
0xad: {  	_ =	task [dreg:s9], $0x5FFFF  }
0xae: {  	[dreg:$0x1] =	wrdreg $0xFFFFFFFF  }
0xaf: {  	[dreg:$0x0] =	wrdreg $0x60  }
0xb0: {  	[dreg:$0x2] =	wrdreg s2  }
0xb1: {  	[dreg:$0x3] =	wrdreg s19  }
0xb2: {  	[dreg:$0x4] =	wrdreg s4  }
0xb3: {  	[dreg:$0x5] =	wrdreg $0x9  }
0xb4: {  	_ =	task.clear_ibuf [dreg:s9], $0x6FFFF;
	_ =	strace $0x90000046  }
0xb5: {  	s29 =	simm.s32 $0x9;
	_ =	strace $0x80000048  }
0xb6: {  	_ =	swait.ge [sflag:s29], $0x1  }
0xb7: {  	[sflag:s29] =	ssyncadd.s32 $0xFFFFFFFF  }
0xb8: {  	_ =	strace $0x90000048  }
0xb9: {  	_ =	sfence  }
0xba: {  	s30 =	sld [smem:$0x0];
	_ =	sdelay $0x2  }
0xbb: {  	s31 =	sshll.u32 s1, $0xD;
	s1 =	sshrl.u32 s1, $0x2  }
0xbc: {  	s3 =	sand.u32 $0x4000, s31;
	s1 =	sadd.s32 s1, s30  }
0xbd: {  	s0 =	sor.u32 s3, s0;
	s1 =	sshll.u32 s1, $0x11  }
0xbe: {  	s0 =	sor.u32 s1, s0  }
0xbf: {  	s0 =	sadd.s32 $0x8F2B, s0  }
0xc0: {  	[sflag:s0] =	ssyncadd.remote.s32 $0x1  }
0xc1: {  	_ =	sfence.sel $0xFFFF  }
0xc2: {  	[dreg:$0x0] =	wrdreg $0xFFFFFFFF;
	(pc) =	sbr.abs _section_cstart, $3  }
0xc3: {  	[dreg:$0x1] =	wrdreg $0xFFFFFFFF  }
0xc4: {  	_ =	task.clear_ibuf [dreg:s9], $0x2FFFF;
	_ =	strace $0x9FFFFFFF  }
0xc5: {  	(tm) =	ssettm $0x7FFFFFFF  }
tec
execute0_lowered:
.L_overlay_start_1:
0x0: {  	(tag) =	ssettag $0x1  }
0x1: {  	s0 =	srdreg.scid;
	s4 =	stileid.u32  }
0x2: {  	s1 =	rddreg [dreg:$0x0];
	s0 =	sand.u32 $0x1, s0;
	s2 =	sshll.u32 s4, $0x1  }
0x3: {  	s7 =	rddreg [dreg:$0x2];
	s3 =	ssub.s32 $0x2, s0;
	s0 =	sor.u32 s0, s2  }
0x4: {  	s5 =	simm.s32 $0x0;
	s6 =	sshll.u32 s0, $0x11;
	s0 =	sshll.u32 s0, $0x1  }
0x5: {  	[smem:$0x7FF] =	sst s5;
	s0 =	sand.u32 $0xE, s0  }
0x6: {  	_ =	strace $0x80000047;
	s25 =	sor.u32 $0x1000, s6;
	[dreg:$0x5] =	wrdreg s0  }
0x7: {  	s26 =	sor.u32 $0x1800, s6;
	[dreg:$0x7] =	wrdreg s25  }
0x8: {  	s28 =	sadd.s32 s7, s6;
	[dreg:$0x8] =	wrdreg s26  }
0x9: {  	s24 =	sshll.u32 s4, $0xD;
	s1 =	sadd.s32 s1, s6;
	[dreg:$0xa] =	wrdreg s28  }
0xa: {  	s22 =	sshrl.u32 s3, $0x1;
	s23 =	sadd.s32 $0x800, s1;
	[dreg:$0x4] =	wrdreg s1  }
.Ltmp0:
0xb: {  	s0 =	sand.u32 $0x4000, s24;
	[dreg:$0x6] =	wrdreg s23;
	(pc) =	sbr.rel .LBB2_1-.Ltmp0, $4  }
0xc: {  	s2 =	ssub.s32 s3, s22;
	s29 =	sadd.s32 $0x2000, s1;
	[dreg:$0x9] =	wrdreg s0  }
0xd: {  	s30 =	sadd.s32 $0x2800, s1;
	s31 =	smax.u32 s2, $0x1;
	[dreg:$0xb] =	wrdreg s29  }
0xe: {  	s24 =	simm.s32 $0x5;
	s25 =	simm.s32 $0x4;
	[dreg:$0xc] =	wrdreg s30  }
0xf: {  	s26 =	simm.s32 $0x6;
	s2 =	simm.s32 $0x0;
	[dreg:$0xd] =	wrdreg s31  }
.LBB2_12:
0x10: {  	s0 =	simm.s32 $0x7  }
0x11: {  	_ =	swait.ge [sflag:s0], $0x4000  }
0x12: {  	[sflag:s0] =	ssyncset.done $0x0  }
0x13: {  	s1 =	simm.s32 $0x8;
	[sflag:s0] =	ssyncadd.s32 $0xFFFFC000  }
0x14: {  	_ =	swait.ge [sflag:s1], $0x4000  }
0x15: {  	s2 =	rddreg [dreg:$0xe]  }
0x16: {  	s31 =	rddreg [dreg:$0xd];
	s2 =	sadd.s32 $0x1, s2  }
0x17: {  	p0 =	sne.s32 s2, s31  }
.Ltmp1:
0x18: {  	_ = 	snop;
	(pc) =	sbr.rel @!p0 .LBB2_13-.Ltmp1, $3  }
0x19: {  	_ =	sdelay $0x1  }
0x1a: {  	[sflag:s1] =	ssyncset.done $0x0  }
0x1b: {  	[sflag:s1] =	ssyncadd.s32 $0xFFFFC000  }
.LBB2_1:
0x1c: {  	[dreg:$0xe] =	wrdreg s2  }
0x1d: {  	s0 =	rddreg [dreg:$0x4];
	s1 =	simm.s32 $0x8000  }
0x1e: {  	[tilespmem:s1], [sflag:$0x1] =	stream.linear.gather [hbm4b:s0+s5], $0x4000, $0x38;
	[tilespmem:$0x18000] =	vst v63  }
0x1f: {  	s23 =	rddreg [dreg:$0x6];
	s28 =	simm.s32 $0xC000  }
0x20: {  	[tilespmem:s28], [sflag:$0x2] =	stream.linear.gather [hbm4b:s23+s5], $0x4000, $0x38;
	[tilespmem:$0x18000] =	vst v63  }
0x21: {  	s29 =	rddreg [dreg:$0x1];
	s30 =	simm.s32 $0x9  }
0x22: {  	[tilespmem:s5], [sflag:$0x9] =	stream.linear.gather [hbm4b:s29+s5], $0x8000, $0x38;
	[tilespmem:$0x18000] =	vst v63  }
0x23: {  	_ =	swait.ge [sflag:s30], $0x8000  }
0x24: {  	[sflag:s30] =	ssyncset.done $0x0  }
0x25: {  	s31 =	simm.s32 $0x0;
	[sflag:s30] =	ssyncadd.s32 $0xFFFF8000  }
.LBB2_2:
0x26: {  	s0 =	sshrl.u32 s31, $0x3;
	s1 =	rddreg [dreg:$0x5]  }
0x27: {  	s4 =	simm.s32 $0x1;
	s0 =	sor.u32 s1, s0  }
0x28: {  	_ =	swait.ge [sflag:s4], $0x4000;
	s0 =	sshll.u32 s0, $0x7  }
0x29: {  	s2 =	simm.s32 $0x0;
	s16 =	rddreg [dreg:$0x9];
	s0 =	sand.u32 $0x380, s0  }
0x2a: {  	s3 =	sand.u32 $0x40, s2;
	s2 =	sand.u32 $0x3C00, s2;
	s0 =	sadd.s32 s0, s16  }
0x2b: {  	[sflag:s4] =	ssyncset.done $0x0;
	s8 =	sor.u32 $0x30, s3;
	s6 =	sadd.s32 s2, s0  }
0x2c: {  	[sflag:s4] =	ssyncadd.s32 $0xFFFFC000;
	s14 =	sadd.s32 s8, s6  }
0x2d: {  	s17 =	sor.u32 $0x10, s3;
	s15 =	sadd.s32 s3, s6;
	v1 =	vld [tilespmem:s14+$0x0]  }
0x2e: {  	s18 =	sadd.s32 s17, s6;
	v2 =	vld [tilespmem:s15+$0x0]  }
0x2f: {  	s16 =	sor.u32 $0x20, s3;
	v3 =	vld [tilespmem:s18+$0x0]  }
0x30: {  	s2 =	sor.u32 $0x8000, s2;
	s6 =	sadd.s32 s16, s6  }
0x31: {  	p0 =	por $0x0, $0x0;
	s19 =	sor.u32 s8, s2;
	s15 =	simm.s32 $0x1;
	v0 =	vld [tilespmem:s6+$0x0]  }
0x32: {  	s3 =	sor.u32 s3, s2;
	s15 =	simm.s32 @!p0 $0x0;
	[tilespmem:s19+$0x0] =	vst.add.f32.msk $0xffff, v1  }
0x33: {  	s20 =	sshll.u32 s15, $0x6;
	s15 =	sor.u32 s17, s2;
	[tilespmem:s3+$0x0] =	vst.add.f32.msk $0xffff, v2  }
0x34: {  	s21 =	sor.u32 $0x80, s19;
	[tilespmem:s15+$0x0] =	vst.add.f32.msk $0xffff, v3  }
0x35: {  	s7 =	sor.u32 $0x80, s3;
	[tilespmem:s21+$0x0] =	vst.add.f32.msk $0xffff, v1  }
0x36: {  	s17 =	sor.u32 $0x80, s15;
	[tilespmem:s7+$0x0] =	vst.add.f32.msk $0xffff, v2  }
0x37: {  	s22 =	sor.u32 $0x100, s19;
	[tilespmem:s17+$0x0] =	vst.add.f32.msk $0xffff, v3  }
0x38: {  	s9 =	sor.u32 $0x100, s3;
	[tilespmem:s22+$0x0] =	vst.add.f32.msk $0xffff, v1  }
0x39: {  	s14 =	sor.u32 $0x100, s15;
	[tilespmem:s9+$0x0] =	vst.add.f32.msk $0xffff, v2  }
0x3a: {  	s6 =	sor.u32 $0x180, s19;
	[tilespmem:s14+$0x0] =	vst.add.f32.msk $0xffff, v3  }
0x3b: {  	s8 =	sadd.s32 $0x0, s20;
	s3 =	sor.u32 $0x180, s3;
	[tilespmem:s6+$0x0] =	vst.add.f32.msk $0xffff, v1  }
0x3c: {  	s23 =	sadd.s32 $0x30, s8;
	s22 =	sor.u32 s16, s2;
	[tilespmem:s3+$0x0] =	vst.add.f32.msk $0xffff, v2  }
0x3d: {  	s29 =	sor.u32 $0x200, s23;
	[tilespmem:s22+$0x0] =	vst.add.f32.msk $0xffff, v0  }
0x3e: {  	s10 =	sor.u32 $0x200, s8;
	[tilespmem:s29+$0x8000] =	vst.add.f32.msk $0xffff, v1  }
0x3f: {  	s6 =	sor.u32 $0x180, s15;
	[tilespmem:s10+$0x8000] =	vst.add.f32.msk $0xffff, v2  }
0x40: {  	s30 =	sor.u32 $0x280, s23;
	[tilespmem:s6+$0x0] =	vst.add.f32.msk $0xffff, v3  }
0x41: {  	s11 =	sor.u32 $0x280, s8;
	s18 =	sadd.s32 $0x10, s8;
	[tilespmem:s30+$0x8000] =	vst.add.f32.msk $0xffff, v1  }
0x42: {  	s19 =	sor.u32 $0x200, s18;
	[tilespmem:s11+$0x8000] =	vst.add.f32.msk $0xffff, v2  }
0x43: {  	s29 =	sor.u32 $0x80, s22;
	[tilespmem:s19+$0x8000] =	vst.add.f32.msk $0xffff, v3  }
0x44: {  	s1 =	sor.u32 $0x300, s23;
	[tilespmem:s29+$0x0] =	vst.add.f32.msk $0xffff, v0  }
0x45: {  	s12 =	sor.u32 $0x300, s8;
	[tilespmem:s1+$0x8000] =	vst.add.f32.msk $0xffff, v1  }
0x46: {  	s20 =	sor.u32 $0x280, s18;
	[tilespmem:s12+$0x8000] =	vst.add.f32.msk $0xffff, v2  }
0x47: {  	s30 =	sor.u32 $0x100, s22;
	[tilespmem:s20+$0x8000] =	vst.add.f32.msk $0xffff, v3  }
0x48: {  	s4 =	sor.u32 $0x380, s23;
	[tilespmem:s30+$0x0] =	vst.add.f32.msk $0xffff, v0  }
0x49: {  	s13 =	sor.u32 $0x380, s8;
	[tilespmem:s4+$0x8000] =	vst.add.f32.msk $0xffff, v1  }
0x4a: {  	s23 =	sadd.s32 $0x20, s8;
	s21 =	sor.u32 $0x300, s18;
	[tilespmem:s13+$0x8000] =	vst.add.f32.msk $0xffff, v2  }
0x4b: {  	s28 =	sor.u32 $0x280, s23;
	s8 =	sor.u32 $0x380, s23;
	s6 =	sor.u32 $0x180, s22;
	[tilespmem:s21+$0x8000] =	vst.add.f32.msk $0xffff, v3  }
0x4c: {  	s2 =	simm.s32 $0x0;
	s3 =	sor.u32 $0x380, s18;
	s18 =	sor.u32 $0x200, s23;
	[tilespmem:s6+$0x0] =	vst.add.f32.msk $0xffff, v0  }
0x4d: {  	s15 =	sor.u32 $0x300, s23;
	s6 =	simm.s32 $0x40;
	[tilespmem:s3+$0x8000] =	vst.add.f32.msk $0xffff, v3;
	s3 =	simm.s32 $0x200  }
.LBB2_3:
0x4e: {  	s14 =	sand.u32 $0x40, s6;
	s16 =	sand.u32 $0x3C00, s3;
	[tilespmem:s18+$0x8000] =	vst.add.f32.msk $0xffff, v0  }
0x4f: {  	s18 =	sadd.s32 s16, s0;
	s29 =	sor.u32 $0x10, s14;
	s30 =	sor.u32 $0x30, s14;
	[tilespmem:s28+$0x8000] =	vst.add.f32.msk $0xffff, v0  }
0x50: {  	s1 =	sor.u32 $0x20, s14;
	s28 =	sadd.s32 s14, s18;
	s4 =	sadd.s32 s30, s18;
	[tilespmem:s15+$0x8000] =	vst.add.f32.msk $0xffff, v0  }
0x51: {  	s15 =	sadd.s32 s29, s18;
	s18 =	sadd.s32 s1, s18;
	v1 =	vld [tilespmem:s4+$0x0]  }
0x52: {  	v2 =	vld [tilespmem:s28+$0x0]  }
0x53: {  	v3 =	vld [tilespmem:s15+$0x0]  }
0x54: {  	p0 =	por !p0, !p0;
	s4 =	sor.u32 $0x8000, s16;
	s15 =	simm.s32 $0x1;
	v4 =	vld [tilespmem:s18+$0x0]  }
0x55: {  	s2 =	sadd.s32 $0x4, s2;
	s16 =	sor.u32 s30, s4;
	s15 =	simm.s32 @!p0 $0x0;
	[tilespmem:s8+$0x8000] =	vst.add.f32.msk $0xffff, v0  }
0x56: {  	p1 =	slt.u32 s2, $0x7C;
	s8 =	sshll.u32 s15, $0x6;
	s15 =	sor.u32 $0x80, s16;
	[tilespmem:s16+$0x0] =	vst.add.f32.msk $0xffff, v1  }
0x57: {  	s14 =	sor.u32 s14, s4;
	s30 =	sadd.s32 s8, s3;
	s8 =	sor.u32 $0x100, s16;
	[tilespmem:s15+$0x0] =	vst.add.f32.msk $0xffff, v1  }
0x58: {  	s15 =	sadd.s32 $0x10, s30;
	s28 =	sadd.s32 $0x30, s30;
	[tilespmem:s8+$0x0] =	vst.add.f32.msk $0xffff, v1;
	s8 =	sor.u32 $0x180, s16  }
0x59: {  	s29 =	sor.u32 s29, s4;
	s7 =	sadd.s32 $0x20, s30;
	[tilespmem:s8+$0x0] =	vst.add.f32.msk $0xffff, v1;
	s8 =	sor.u32 $0x200, s28;
	v0 =	vmov v4  }
0x5a: {  	s9 =	sor.u32 $0x200, s15;
	s16 =	sor.u32 s1, s4;
	s1 =	sor.u32 $0x280, s28;
	[tilespmem:s8+$0x8000] =	vst.add.f32.msk $0xffff, v1  }
0x5b: {  	s4 =	sor.u32 $0x280, s15;
	s10 =	sor.u32 $0x300, s15;
	[tilespmem:s1+$0x8000] =	vst.add.f32.msk $0xffff, v1;
	s1 =	sor.u32 $0x300, s28  }
0x5c: {  	s11 =	sor.u32 $0x380, s15;
	s18 =	sor.u32 $0x200, s7;
	[tilespmem:s1+$0x8000] =	vst.add.f32.msk $0xffff, v1;
	s1 =	sor.u32 $0x380, s28  }
0x5d: {  	s15 =	sor.u32 $0x300, s7;
	s8 =	sor.u32 $0x380, s7;
	s28 =	sor.u32 $0x280, s7;
	[tilespmem:s1+$0x8000] =	vst.add.f32.msk $0xffff, v1  }
0x5e: {  	s7 =	sor.u32 $0x100, s14;
	s1 =	sor.u32 $0x80, s14;
	[tilespmem:s14+$0x0] =	vst.add.f32.msk $0xffff, v2;
	s14 =	sor.u32 $0x180, s14  }
0x5f: {  	s12 =	sor.u32 $0x280, s30;
	s13 =	sor.u32 $0x300, s30;
	[tilespmem:s1+$0x0] =	vst.add.f32.msk $0xffff, v2;
	s1 =	sor.u32 $0x200, s30  }
0x60: {  	s17 =	sor.u32 $0x100, s29;
	[tilespmem:s7+$0x0] =	vst.add.f32.msk $0xffff, v2;
	s7 =	sor.u32 $0x380, s30;
	s30 =	sor.u32 $0x80, s29  }
0x61: {  	s20 =	sor.u32 $0x80, s16;
	s22 =	sor.u32 $0x100, s16;
	[tilespmem:s14+$0x0] =	vst.add.f32.msk $0xffff, v2;
	s14 =	sor.u32 $0x180, s29  }
0x62: {  	[tilespmem:s1+$0x8000] =	vst.add.f32.msk $0xffff, v2;
	s1 =	sor.u32 $0x180, s16  }
0x63: {  	[tilespmem:s12+$0x8000] =	vst.add.f32.msk $0xffff, v2  }
0x64: {  	[tilespmem:s13+$0x8000] =	vst.add.f32.msk $0xffff, v2  }
0x65: {  	[tilespmem:s7+$0x8000] =	vst.add.f32.msk $0xffff, v2  }
0x66: {  	[tilespmem:s29+$0x0] =	vst.add.f32.msk $0xffff, v3  }
0x67: {  	[tilespmem:s30+$0x0] =	vst.add.f32.msk $0xffff, v3  }
0x68: {  	[tilespmem:s17+$0x0] =	vst.add.f32.msk $0xffff, v3  }
0x69: {  	[tilespmem:s14+$0x0] =	vst.add.f32.msk $0xffff, v3  }
0x6a: {  	[tilespmem:s9+$0x8000] =	vst.add.f32.msk $0xffff, v3  }
0x6b: {  	[tilespmem:s4+$0x8000] =	vst.add.f32.msk $0xffff, v3  }
0x6c: {  	[tilespmem:s10+$0x8000] =	vst.add.f32.msk $0xffff, v3  }
.Ltmp2:
0x6d: {  	[tilespmem:s11+$0x8000] =	vst.add.f32.msk $0xffff, v3;
	(pc) =	sbr.rel @p1 .LBB2_3-.Ltmp2, $4  }
0x6e: {  	[tilespmem:s16+$0x0] =	vst.add.f32.msk $0xffff, v0  }
0x6f: {  	[tilespmem:s20+$0x0] =	vst.add.f32.msk $0xffff, v0  }
0x70: {  	[tilespmem:s22+$0x0] =	vst.add.f32.msk $0xffff, v0  }
0x71: {  	s6 =	sadd.s32 $0x40, s6;
	s3 =	sadd.s32 $0x200, s3;
	[tilespmem:s1+$0x0] =	vst.add.f32.msk $0xffff, v0  }
0x72: {  	[tilespmem:s18+$0x8000] =	vst.add.f32.msk $0xffff, v0  }
0x73: {  	[tilespmem:s28+$0x8000] =	vst.add.f32.msk $0xffff, v0  }
0x74: {  	[tilespmem:s15+$0x8000] =	vst.add.f32.msk $0xffff, v0  }
0x75: {  	[tilespmem:s8+$0x8000] =	vst.add.f32.msk $0xffff, v0  }
0x76: {  	s2 =	sshll.u32 s31, $0xD;
	p0 =	seq.s32 s31, $0x0;
	s1 =	rddreg [dreg:$0xa]  }
0x77: {  	s20 =	simm.s32 $0x8000;
	s3 =	sadd.s32 s2, s1;
	s1 =	simm.s32 @!p0 $0x7  }
0x78: {  	[hbm4b:s3+s5] =	stream.linear.scatter [tilespmem:s20], [sflag:$0x5], $0x4000, $0x38;
	[tilespmem:$0x18000] =	vst v63  }
0x79: {  	_ =	swait.ge @!p0 [sflag:s1], $0x4000  }
0x7a: {  	[sflag:s1] =	ssyncset.done @!p0 $0x0  }
0x7b: {  	s4 =	rddreg [dreg:$0x7];
	[sflag:s1] =	ssyncadd.s32 @!p0 $0xFFFFC000  }
0x7c: {  	s21 =	simm.s32 $0x0;
	s8 =	sadd.s32 s4, s2;
	s1 =	rddreg [dreg:$0x0]  }
0x7d: {  	s6 =	simm.s32 $0x10000;
	s9 =	simm.s32 $0x2;
	s1 =	sadd.s32 s1, s8  }
0x7e: {  	[tilespmem:s6], [sflag:$0x3] =	stream.linear.gather [hbm4b:s1+s21], $0x4000, $0x38;
	[tilespmem:$0x18000] =	vst v63  }
0x7f: {  	s22 =	sand.u32 $0x40, s21;
	s4 =	sand.u32 $0x3C00, s21;
	_ =	swait.ge [sflag:s9], $0x4000  }
0x80: {  	s7 =	sor.u32 $0x30, s22;
	s23 =	sadd.s32 s4, s0;
	[sflag:s9] =	ssyncset.done $0x0  }
0x81: {  	s11 =	sadd.s32 s7, s23;
	[sflag:s9] =	ssyncadd.s32 $0xFFFFC000  }
0x82: {  	s10 =	sadd.s32 s22, s23;
	v1 =	vld [tilespmem:s11+$0x0]  }
0x83: {  	s9 =	sor.u32 $0x10, s22;
	v2 =	vld [tilespmem:s10+$0x0]  }
0x84: {  	s11 =	sor.u32 $0x20, s22;
	s12 =	sadd.s32 s9, s23  }
0x85: {  	s4 =	sor.u32 $0xC000, s4;
	s6 =	sadd.s32 s11, s23;
	v3 =	vld [tilespmem:s12+$0x0]  }
0x86: {  	s13 =	sor.u32 s7, s4;
	v0 =	vld [tilespmem:s6+$0x0]  }
0x87: {  	s1 =	sor.u32 s22, s4;
	[tilespmem:s13+$0x0] =	vst.add.f32.msk $0xffff, v1  }
0x88: {  	s15 =	sor.u32 $0x80, s13;
	[tilespmem:s1+$0x0] =	vst.add.f32.msk $0xffff, v2  }
0x89: {  	s22 =	sor.u32 $0x80, s1;
	[tilespmem:s15+$0x0] =	vst.add.f32.msk $0xffff, v1  }
0x8a: {  	s16 =	sor.u32 $0x100, s13;
	[tilespmem:s22+$0x0] =	vst.add.f32.msk $0xffff, v2  }
0x8b: {  	s23 =	sor.u32 $0x100, s1;
	[tilespmem:s16+$0x0] =	vst.add.f32.msk $0xffff, v1  }
0x8c: {  	s15 =	sor.u32 s9, s4;
	[tilespmem:s23+$0x0] =	vst.add.f32.msk $0xffff, v2  }
0x8d: {  	p1 =	por $0x0, $0x0;
	s10 =	simm.s32 $0x1;
	s4 =	sor.u32 s11, s4;
	[tilespmem:s15+$0x0] =	vst.add.f32.msk $0xffff, v3  }
0x8e: {  	s10 =	simm.s32 @!p1 $0x0;
	s6 =	sor.u32 $0x180, s13;
	[tilespmem:s4+$0x0] =	vst.add.f32.msk $0xffff, v0  }
0x8f: {  	s14 =	sshll.u32 s10, $0x6;
	s1 =	sor.u32 $0x180, s1;
	[tilespmem:s6+$0x0] =	vst.add.f32.msk $0xffff, v1  }
0x90: {  	s7 =	sadd.s32 $0x0, s14;
	s16 =	sor.u32 $0x80, s15;
	[tilespmem:s1+$0x0] =	vst.add.f32.msk $0xffff, v2  }
0x91: {  	s17 =	sadd.s32 $0x30, s7;
	s22 =	sor.u32 $0x80, s4;
	[tilespmem:s16+$0x0] =	vst.add.f32.msk $0xffff, v3  }
0x92: {  	s18 =	sor.u32 $0x200, s17;
	[tilespmem:s22+$0x0] =	vst.add.f32.msk $0xffff, v0  }
0x93: {  	s10 =	sor.u32 $0x200, s7;
	[tilespmem:s18+$0xC000] =	vst.add.f32.msk $0xffff, v1  }
0x94: {  	s9 =	sor.u32 $0x100, s15;
	[tilespmem:s10+$0xC000] =	vst.add.f32.msk $0xffff, v2  }
0x95: {  	s23 =	sor.u32 $0x100, s4;
	[tilespmem:s9+$0x0] =	vst.add.f32.msk $0xffff, v3  }
0x96: {  	s19 =	sor.u32 $0x280, s17;
	[tilespmem:s23+$0x0] =	vst.add.f32.msk $0xffff, v0  }
0x97: {  	s12 =	sor.u32 $0x280, s7;
	[tilespmem:s19+$0xC000] =	vst.add.f32.msk $0xffff, v1  }
0x98: {  	s6 =	sor.u32 $0x180, s15;
	[tilespmem:s12+$0xC000] =	vst.add.f32.msk $0xffff, v2  }
0x99: {  	s4 =	sor.u32 $0x180, s4;
	[tilespmem:s6+$0x0] =	vst.add.f32.msk $0xffff, v3  }
0x9a: {  	s20 =	sor.u32 $0x300, s17;
	[tilespmem:s4+$0x0] =	vst.add.f32.msk $0xffff, v0  }
0x9b: {  	s21 =	sor.u32 $0x380, s17;
	s13 =	sor.u32 $0x300, s7;
	s17 =	sadd.s32 $0x10, s7;
	[tilespmem:s20+$0xC000] =	vst.add.f32.msk $0xffff, v1  }
0x9c: {  	s18 =	sor.u32 $0x200, s17;
	[tilespmem:s13+$0xC000] =	vst.add.f32.msk $0xffff, v2  }
0x9d: {  	[tilespmem:s18+$0xC000] =	vst.add.f32.msk $0xffff, v3  }
0x9e: {  	s14 =	sor.u32 $0x380, s7;
	[tilespmem:s21+$0xC000] =	vst.add.f32.msk $0xffff, v1  }
0x9f: {  	s1 =	sor.u32 $0x380, s17;
	s19 =	sor.u32 $0x280, s17;
	[tilespmem:s14+$0xC000] =	vst.add.f32.msk $0xffff, v2  }
0xa0: {  	s15 =	simm.s32 $0x0;
	s20 =	sor.u32 $0x300, s17;
	[tilespmem:s19+$0xC000] =	vst.add.f32.msk $0xffff, v3;
	s21 =	sadd.s32 $0x20, s7  }
0xa1: {  	s6 =	simm.s32 $0x200;
	s18 =	simm.s32 $0x40;
	[tilespmem:s20+$0xC000] =	vst.add.f32.msk $0xffff, v3;
	s30 =	sor.u32 $0x200, s21  }
0xa2: {  	s16 =	sor.u32 $0x280, s21;
	s29 =	sor.u32 $0x300, s21;
	s28 =	sor.u32 $0x380, s21;
	[tilespmem:s1+$0xC000] =	vst.add.f32.msk $0xffff, v3  }
.LBB2_5:
0xa3: {  	s1 =	sand.u32 $0x40, s18;
	s4 =	sand.u32 $0x3C00, s6;
	[tilespmem:s30+$0xC000] =	vst.add.f32.msk $0xffff, v0  }
0xa4: {  	s7 =	sadd.s32 s4, s0;
	s9 =	sor.u32 $0x10, s1;
	s10 =	sor.u32 $0x30, s1;
	[tilespmem:s16+$0xC000] =	vst.add.f32.msk $0xffff, v0  }
0xa5: {  	s12 =	sor.u32 $0x20, s1;
	s11 =	sadd.s32 s1, s7;
	s13 =	sadd.s32 s10, s7;
	[tilespmem:s29+$0xC000] =	vst.add.f32.msk $0xffff, v0  }
0xa6: {  	s14 =	sadd.s32 s9, s7;
	s7 =	sadd.s32 s12, s7;
	v1 =	vld [tilespmem:s13+$0x0]  }
0xa7: {  	v2 =	vld [tilespmem:s11+$0x0]  }
0xa8: {  	v3 =	vld [tilespmem:s14+$0x0]  }
0xa9: {  	p1 =	por !p1, !p1;
	s4 =	sor.u32 $0xC000, s4;
	v4 =	vld [tilespmem:s7+$0x0];
	s7 =	simm.s32 $0x1  }
0xaa: {  	s15 =	sadd.s32 $0x4, s15;
	s10 =	sor.u32 s10, s4;
	s7 =	simm.s32 @!p1 $0x0;
	[tilespmem:s28+$0xC000] =	vst.add.f32.msk $0xffff, v0  }
0xab: {  	p2 =	slt.u32 s15, $0x7C;
	s11 =	sor.u32 $0x80, s10;
	s7 =	sshll.u32 s7, $0x6;
	[tilespmem:s10+$0x0] =	vst.add.f32.msk $0xffff, v1  }
0xac: {  	s1 =	sor.u32 s1, s4;
	s7 =	sadd.s32 s7, s6;
	[tilespmem:s11+$0x0] =	vst.add.f32.msk $0xffff, v1;
	s11 =	sor.u32 $0x100, s10  }
0xad: {  	s10 =	sor.u32 $0x180, s10;
	s13 =	sadd.s32 $0x10, s7;
	[tilespmem:s11+$0x0] =	vst.add.f32.msk $0xffff, v1;
	s11 =	sadd.s32 $0x30, s7  }
0xae: {  	s9 =	sor.u32 s9, s4;
	s17 =	sadd.s32 $0x20, s7;
	[tilespmem:s10+$0x0] =	vst.add.f32.msk $0xffff, v1;
	s10 =	sor.u32 $0x200, s11;
	v0 =	vmov v4  }
0xaf: {  	s14 =	sor.u32 s12, s4;
	s20 =	sor.u32 $0x200, s13;
	s4 =	sor.u32 $0x280, s11;
	[tilespmem:s10+$0xC000] =	vst.add.f32.msk $0xffff, v1  }
0xb0: {  	s12 =	sor.u32 $0x300, s13;
	s10 =	sor.u32 $0x280, s13;
	[tilespmem:s4+$0xC000] =	vst.add.f32.msk $0xffff, v1;
	s4 =	sor.u32 $0x300, s11  }
0xb1: {  	s30 =	sor.u32 $0x200, s17;
	s13 =	sor.u32 $0x380, s13;
	[tilespmem:s4+$0xC000] =	vst.add.f32.msk $0xffff, v1;
	s4 =	sor.u32 $0x380, s11  }
0xb2: {  	s16 =	sor.u32 $0x280, s17;
	s29 =	sor.u32 $0x300, s17;
	s28 =	sor.u32 $0x380, s17;
	[tilespmem:s4+$0xC000] =	vst.add.f32.msk $0xffff, v1  }
0xb3: {  	s11 =	sor.u32 $0x100, s1;
	s4 =	sor.u32 $0x80, s1;
	[tilespmem:s1+$0x0] =	vst.add.f32.msk $0xffff, v2;
	s1 =	sor.u32 $0x180, s1  }
0xb4: {  	s22 =	sor.u32 $0x300, s7;
	s17 =	sor.u32 $0x280, s7;
	[tilespmem:s4+$0x0] =	vst.add.f32.msk $0xffff, v2;
	s4 =	sor.u32 $0x200, s7  }
0xb5: {  	s19 =	sor.u32 $0x100, s9;
	s7 =	sor.u32 $0x380, s7;
	[tilespmem:s11+$0x0] =	vst.add.f32.msk $0xffff, v2;
	s11 =	sor.u32 $0x80, s9  }
0xb6: {  	s21 =	sor.u32 $0x80, s14;
	s23 =	sor.u32 $0x100, s14;
	[tilespmem:s1+$0x0] =	vst.add.f32.msk $0xffff, v2;
	s1 =	sor.u32 $0x180, s9  }
0xb7: {  	[tilespmem:s4+$0xC000] =	vst.add.f32.msk $0xffff, v2;
	s4 =	sor.u32 $0x180, s14  }
0xb8: {  	[tilespmem:s17+$0xC000] =	vst.add.f32.msk $0xffff, v2  }
0xb9: {  	[tilespmem:s22+$0xC000] =	vst.add.f32.msk $0xffff, v2  }
0xba: {  	[tilespmem:s7+$0xC000] =	vst.add.f32.msk $0xffff, v2  }
0xbb: {  	[tilespmem:s9+$0x0] =	vst.add.f32.msk $0xffff, v3  }
0xbc: {  	[tilespmem:s11+$0x0] =	vst.add.f32.msk $0xffff, v3  }
0xbd: {  	[tilespmem:s19+$0x0] =	vst.add.f32.msk $0xffff, v3  }
0xbe: {  	[tilespmem:s1+$0x0] =	vst.add.f32.msk $0xffff, v3  }
0xbf: {  	[tilespmem:s20+$0xC000] =	vst.add.f32.msk $0xffff, v3  }
0xc0: {  	[tilespmem:s10+$0xC000] =	vst.add.f32.msk $0xffff, v3  }
0xc1: {  	[tilespmem:s12+$0xC000] =	vst.add.f32.msk $0xffff, v3  }
.Ltmp3:
0xc2: {  	[tilespmem:s13+$0xC000] =	vst.add.f32.msk $0xffff, v3;
	(pc) =	sbr.rel @p2 .LBB2_5-.Ltmp3, $4  }
0xc3: {  	[tilespmem:s14+$0x0] =	vst.add.f32.msk $0xffff, v0  }
0xc4: {  	[tilespmem:s21+$0x0] =	vst.add.f32.msk $0xffff, v0  }
0xc5: {  	[tilespmem:s23+$0x0] =	vst.add.f32.msk $0xffff, v0  }
0xc6: {  	s18 =	sadd.s32 $0x40, s18;
	s6 =	sadd.s32 $0x200, s6;
	[tilespmem:s4+$0x0] =	vst.add.f32.msk $0xffff, v0  }
0xc7: {  	[tilespmem:s30+$0xC000] =	vst.add.f32.msk $0xffff, v0  }
0xc8: {  	[tilespmem:s16+$0xC000] =	vst.add.f32.msk $0xffff, v0  }
0xc9: {  	[tilespmem:s29+$0xC000] =	vst.add.f32.msk $0xffff, v0  }
0xca: {  	s1 =	sadd.s32 $0x800, s3;
	s20 =	simm.s32 $0xC000;
	[tilespmem:s28+$0xC000] =	vst.add.f32.msk $0xffff, v0  }
0xcb: {  	[hbm4b:s1+s5] =	stream.linear.scatter [tilespmem:s20], [sflag:$0x6], $0x4000, $0x38;
	[tilespmem:$0x18000] =	vst v63  }
0xcc: {  	s1 =	simm.s32 @!p0 $0x8  }
0xcd: {  	_ =	swait.ge @!p0 [sflag:s1], $0x4000  }
0xce: {  	[sflag:s1] =	ssyncset.done @!p0 $0x0  }
0xcf: {  	s21 =	rddreg [dreg:$0x8];
	[sflag:s1] =	ssyncadd.s32 @!p0 $0xFFFFC000  }
0xd0: {  	s4 =	simm.s32 $0x0;
	s3 =	sadd.s32 s21, s2;
	s1 =	rddreg [dreg:$0x0]  }
0xd1: {  	s6 =	simm.s32 $0x14000;
	s9 =	simm.s32 $0x3;
	s1 =	sadd.s32 s1, s3  }
0xd2: {  	[tilespmem:s6], [sflag:$0x4] =	stream.linear.gather [hbm4b:s1+s4], $0x4000, $0x38;
	[tilespmem:$0x18000] =	vst v63  }
0xd3: {  	s22 =	sand.u32 $0x40, s4;
	s4 =	sand.u32 $0x3C00, s4;
	_ =	swait.ge [sflag:s9], $0x4000  }
0xd4: {  	s7 =	sor.u32 $0x30, s22;
	s23 =	sadd.s32 s4, s0;
	[sflag:s9] =	ssyncset.done $0x0  }
0xd5: {  	s11 =	sadd.s32 s7, s23;
	[sflag:s9] =	ssyncadd.s32 $0xFFFFC000  }
0xd6: {  	s10 =	sadd.s32 s22, s23;
	v1 =	vld [tilespmem:s11+$0x0]  }
0xd7: {  	s9 =	sor.u32 $0x10, s22;
	v2 =	vld [tilespmem:s10+$0x0]  }
0xd8: {  	s11 =	sor.u32 $0x20, s22;
	s12 =	sadd.s32 s9, s23  }
0xd9: {  	s4 =	sor.u32 $0x10000, s4;
	s6 =	sadd.s32 s11, s23;
	v3 =	vld [tilespmem:s12+$0x0]  }
0xda: {  	s13 =	sor.u32 s7, s4;
	v0 =	vld [tilespmem:s6+$0x0]  }
0xdb: {  	s1 =	sor.u32 s22, s4;
	[tilespmem:s13+$0x0] =	vst.add.f32.msk $0xffff, v1  }
0xdc: {  	s15 =	sor.u32 $0x80, s13;
	[tilespmem:s1+$0x0] =	vst.add.f32.msk $0xffff, v2  }
0xdd: {  	s22 =	sor.u32 $0x80, s1;
	[tilespmem:s15+$0x0] =	vst.add.f32.msk $0xffff, v1  }
0xde: {  	s16 =	sor.u32 $0x100, s13;
	[tilespmem:s22+$0x0] =	vst.add.f32.msk $0xffff, v2  }
0xdf: {  	s23 =	sor.u32 $0x100, s1;
	[tilespmem:s16+$0x0] =	vst.add.f32.msk $0xffff, v1  }
0xe0: {  	s15 =	sor.u32 s9, s4;
	[tilespmem:s23+$0x0] =	vst.add.f32.msk $0xffff, v2  }
0xe1: {  	p0 =	por $0x0, $0x0;
	s10 =	simm.s32 $0x1;
	s4 =	sor.u32 s11, s4;
	[tilespmem:s15+$0x0] =	vst.add.f32.msk $0xffff, v3  }
0xe2: {  	s10 =	simm.s32 @!p0 $0x0;
	s6 =	sor.u32 $0x180, s13;
	[tilespmem:s4+$0x0] =	vst.add.f32.msk $0xffff, v0  }
0xe3: {  	s14 =	sshll.u32 s10, $0x6;
	s1 =	sor.u32 $0x180, s1;
	[tilespmem:s6+$0x0] =	vst.add.f32.msk $0xffff, v1  }
0xe4: {  	s7 =	sadd.s32 $0x0, s14;
	s16 =	sor.u32 $0x80, s15;
	[tilespmem:s1+$0x0] =	vst.add.f32.msk $0xffff, v2  }
0xe5: {  	s17 =	sadd.s32 $0x30, s7;
	s22 =	sor.u32 $0x80, s4;
	[tilespmem:s16+$0x0] =	vst.add.f32.msk $0xffff, v3  }
0xe6: {  	s18 =	sor.u32 $0x200, s17;
	[tilespmem:s22+$0x0] =	vst.add.f32.msk $0xffff, v0  }
0xe7: {  	s10 =	sor.u32 $0x200, s7;
	[tilespmem:s18+$0x10000] =	vst.add.f32.msk $0xffff, v1  }
0xe8: {  	s9 =	sor.u32 $0x100, s15;
	[tilespmem:s10+$0x10000] =	vst.add.f32.msk $0xffff, v2  }
0xe9: {  	s23 =	sor.u32 $0x100, s4;
	[tilespmem:s9+$0x0] =	vst.add.f32.msk $0xffff, v3  }
0xea: {  	s19 =	sor.u32 $0x280, s17;
	[tilespmem:s23+$0x0] =	vst.add.f32.msk $0xffff, v0  }
0xeb: {  	s12 =	sor.u32 $0x280, s7;
	[tilespmem:s19+$0x10000] =	vst.add.f32.msk $0xffff, v1  }
0xec: {  	s6 =	sor.u32 $0x180, s15;
	[tilespmem:s12+$0x10000] =	vst.add.f32.msk $0xffff, v2  }
0xed: {  	s4 =	sor.u32 $0x180, s4;
	[tilespmem:s6+$0x0] =	vst.add.f32.msk $0xffff, v3  }
0xee: {  	s20 =	sor.u32 $0x300, s17;
	[tilespmem:s4+$0x0] =	vst.add.f32.msk $0xffff, v0  }
0xef: {  	s21 =	sor.u32 $0x380, s17;
	s13 =	sor.u32 $0x300, s7;
	s17 =	sadd.s32 $0x10, s7;
	[tilespmem:s20+$0x10000] =	vst.add.f32.msk $0xffff, v1  }
0xf0: {  	s18 =	sor.u32 $0x200, s17;
	[tilespmem:s13+$0x10000] =	vst.add.f32.msk $0xffff, v2  }
0xf1: {  	[tilespmem:s18+$0x10000] =	vst.add.f32.msk $0xffff, v3  }
0xf2: {  	s14 =	sor.u32 $0x380, s7;
	[tilespmem:s21+$0x10000] =	vst.add.f32.msk $0xffff, v1  }
0xf3: {  	s1 =	sor.u32 $0x380, s17;
	s19 =	sor.u32 $0x280, s17;
	[tilespmem:s14+$0x10000] =	vst.add.f32.msk $0xffff, v2  }
0xf4: {  	s15 =	simm.s32 $0x0;
	s20 =	sor.u32 $0x300, s17;
	[tilespmem:s19+$0x10000] =	vst.add.f32.msk $0xffff, v3;
	s21 =	sadd.s32 $0x20, s7  }
0xf5: {  	s6 =	simm.s32 $0x200;
	s18 =	simm.s32 $0x40;
	[tilespmem:s20+$0x10000] =	vst.add.f32.msk $0xffff, v3;
	s30 =	sor.u32 $0x200, s21  }
0xf6: {  	s16 =	sor.u32 $0x280, s21;
	s29 =	sor.u32 $0x300, s21;
	s28 =	sor.u32 $0x380, s21;
	[tilespmem:s1+$0x10000] =	vst.add.f32.msk $0xffff, v3  }
.LBB2_7:
0xf7: {  	s1 =	sand.u32 $0x40, s18;
	s4 =	sand.u32 $0x3C00, s6;
	[tilespmem:s30+$0x10000] =	vst.add.f32.msk $0xffff, v0  }
0xf8: {  	s7 =	sadd.s32 s4, s0;
	s9 =	sor.u32 $0x10, s1;
	s10 =	sor.u32 $0x30, s1;
	[tilespmem:s16+$0x10000] =	vst.add.f32.msk $0xffff, v0  }
0xf9: {  	s12 =	sor.u32 $0x20, s1;
	s11 =	sadd.s32 s1, s7;
	s13 =	sadd.s32 s10, s7;
	[tilespmem:s29+$0x10000] =	vst.add.f32.msk $0xffff, v0  }
0xfa: {  	s14 =	sadd.s32 s9, s7;
	s7 =	sadd.s32 s12, s7;
	v1 =	vld [tilespmem:s13+$0x0]  }
0xfb: {  	v2 =	vld [tilespmem:s11+$0x0]  }
0xfc: {  	v3 =	vld [tilespmem:s14+$0x0]  }
0xfd: {  	p0 =	por !p0, !p0;
	s4 =	sor.u32 $0x10000, s4;
	v4 =	vld [tilespmem:s7+$0x0];
	s7 =	simm.s32 $0x1  }
0xfe: {  	s15 =	sadd.s32 $0x4, s15;
	s10 =	sor.u32 s10, s4;
	s7 =	simm.s32 @!p0 $0x0;
	[tilespmem:s28+$0x10000] =	vst.add.f32.msk $0xffff, v0  }
0xff: {  	p1 =	slt.u32 s15, $0x7C;
	s11 =	sor.u32 $0x80, s10;
	s7 =	sshll.u32 s7, $0x6;
	[tilespmem:s10+$0x0] =	vst.add.f32.msk $0xffff, v1  }
0x100: {  	s1 =	sor.u32 s1, s4;
	s7 =	sadd.s32 s7, s6;
	[tilespmem:s11+$0x0] =	vst.add.f32.msk $0xffff, v1;
	s11 =	sor.u32 $0x100, s10  }
0x101: {  	s10 =	sor.u32 $0x180, s10;
	s13 =	sadd.s32 $0x10, s7;
	[tilespmem:s11+$0x0] =	vst.add.f32.msk $0xffff, v1;
	s11 =	sadd.s32 $0x30, s7  }
0x102: {  	s9 =	sor.u32 s9, s4;
	s17 =	sadd.s32 $0x20, s7;
	[tilespmem:s10+$0x0] =	vst.add.f32.msk $0xffff, v1;
	s10 =	sor.u32 $0x200, s11;
	v0 =	vmov v4  }
0x103: {  	s14 =	sor.u32 s12, s4;
	s19 =	sor.u32 $0x200, s13;
	s4 =	sor.u32 $0x280, s11;
	[tilespmem:s10+$0x10000] =	vst.add.f32.msk $0xffff, v1  }
0x104: {  	s12 =	sor.u32 $0x300, s13;
	s10 =	sor.u32 $0x280, s13;
	[tilespmem:s4+$0x10000] =	vst.add.f32.msk $0xffff, v1;
	s4 =	sor.u32 $0x300, s11  }
0x105: {  	s30 =	sor.u32 $0x200, s17;
	s13 =	sor.u32 $0x380, s13;
	[tilespmem:s4+$0x10000] =	vst.add.f32.msk $0xffff, v1;
	s4 =	sor.u32 $0x380, s11  }
0x106: {  	s16 =	sor.u32 $0x280, s17;
	s29 =	sor.u32 $0x300, s17;
	s28 =	sor.u32 $0x380, s17;
	[tilespmem:s4+$0x10000] =	vst.add.f32.msk $0xffff, v1  }
0x107: {  	s11 =	sor.u32 $0x100, s1;
	s4 =	sor.u32 $0x80, s1;
	[tilespmem:s1+$0x0] =	vst.add.f32.msk $0xffff, v2;
	s1 =	sor.u32 $0x180, s1  }
0x108: {  	s20 =	sor.u32 $0x300, s7;
	s17 =	sor.u32 $0x280, s7;
	[tilespmem:s4+$0x0] =	vst.add.f32.msk $0xffff, v2;
	s4 =	sor.u32 $0x200, s7  }
0x109: {  	s21 =	sor.u32 $0x100, s9;
	s7 =	sor.u32 $0x380, s7;
	[tilespmem:s11+$0x0] =	vst.add.f32.msk $0xffff, v2;
	s11 =	sor.u32 $0x80, s9  }
0x10a: {  	s22 =	sor.u32 $0x80, s14;
	s23 =	sor.u32 $0x100, s14;
	[tilespmem:s1+$0x0] =	vst.add.f32.msk $0xffff, v2;
	s1 =	sor.u32 $0x180, s9  }
0x10b: {  	[tilespmem:s4+$0x10000] =	vst.add.f32.msk $0xffff, v2;
	s4 =	sor.u32 $0x180, s14  }
0x10c: {  	[tilespmem:s17+$0x10000] =	vst.add.f32.msk $0xffff, v2  }
0x10d: {  	[tilespmem:s20+$0x10000] =	vst.add.f32.msk $0xffff, v2  }
0x10e: {  	[tilespmem:s7+$0x10000] =	vst.add.f32.msk $0xffff, v2  }
0x10f: {  	[tilespmem:s9+$0x0] =	vst.add.f32.msk $0xffff, v3  }
0x110: {  	[tilespmem:s11+$0x0] =	vst.add.f32.msk $0xffff, v3  }
0x111: {  	[tilespmem:s21+$0x0] =	vst.add.f32.msk $0xffff, v3  }
0x112: {  	[tilespmem:s1+$0x0] =	vst.add.f32.msk $0xffff, v3  }
0x113: {  	[tilespmem:s19+$0x10000] =	vst.add.f32.msk $0xffff, v3  }
0x114: {  	[tilespmem:s10+$0x10000] =	vst.add.f32.msk $0xffff, v3  }
0x115: {  	[tilespmem:s12+$0x10000] =	vst.add.f32.msk $0xffff, v3  }
.Ltmp4:
0x116: {  	[tilespmem:s13+$0x10000] =	vst.add.f32.msk $0xffff, v3;
	(pc) =	sbr.rel @p1 .LBB2_7-.Ltmp4, $4  }
0x117: {  	[tilespmem:s14+$0x0] =	vst.add.f32.msk $0xffff, v0  }
0x118: {  	[tilespmem:s22+$0x0] =	vst.add.f32.msk $0xffff, v0  }
0x119: {  	[tilespmem:s23+$0x0] =	vst.add.f32.msk $0xffff, v0  }
0x11a: {  	s18 =	sadd.s32 $0x40, s18;
	s6 =	sadd.s32 $0x200, s6;
	[tilespmem:s4+$0x0] =	vst.add.f32.msk $0xffff, v0  }
0x11b: {  	[tilespmem:s30+$0x10000] =	vst.add.f32.msk $0xffff, v0  }
0x11c: {  	[tilespmem:s16+$0x10000] =	vst.add.f32.msk $0xffff, v0  }
0x11d: {  	s30 =	rddreg [dreg:$0x2];
	[tilespmem:s29+$0x10000] =	vst.add.f32.msk $0xffff, v0  }
0x11e: {  	s4 =	simm.s32 $0x10000;
	s1 =	sadd.s32 s30, s8;
	[tilespmem:s28+$0x10000] =	vst.add.f32.msk $0xffff, v0  }
0x11f: {  	[hbm4b:s1+s5] =	stream.linear.scatter [tilespmem:s4], [sflag:$0x7], $0x4000, $0x38;
	[tilespmem:$0x18000] =	vst v63  }
0x120: {  	p0 =	seq.s32 s31, $0xF;
	s21 =	simm.s32 $0x0;
	_ =	swait.ge [sflag:s24], $0x4000  }
0x121: {  	s6 =	simm.s32 @!p0 $0x8000;
	[sflag:s24] =	ssyncset.done $0x0;
	s1 =	rddreg [dreg:$0xb]  }
0x122: {  	s4 =	simm.s32 @!p0 $0x0;
	[sflag:s24] =	ssyncadd.s32 $0xFFFFC000;
	s1 =	sadd.s32 @!p0 s2, s1  }
0x123: {  	[tilespmem:s6], [sflag:$0x1] =	stream.linear.gather @!p0 [hbm4b:s1+s4], $0x4000, $0x38;
	[tilespmem:$0x18000] =	vst v63  }
0x124: {  	s22 =	sand.u32 $0x40, s21;
	s1 =	sand.u32 $0x3C00, s21;
	_ =	swait.ge [sflag:s25], $0x4000  }
0x125: {  	s7 =	sor.u32 $0x30, s22;
	s23 =	sadd.s32 s1, s0;
	[sflag:s25] =	ssyncset.done $0x0  }
0x126: {  	s11 =	sadd.s32 s7, s23;
	[sflag:s25] =	ssyncadd.s32 $0xFFFFC000  }
0x127: {  	s9 =	sadd.s32 s22, s23;
	v1 =	vld [tilespmem:s11+$0x0]  }
0x128: {  	s8 =	sor.u32 $0x10, s22;
	v2 =	vld [tilespmem:s9+$0x0]  }
0x129: {  	s10 =	sor.u32 $0x20, s22;
	s12 =	sadd.s32 s8, s23  }
0x12a: {  	s1 =	sor.u32 $0x14000, s1;
	s6 =	sadd.s32 s10, s23;
	v3 =	vld [tilespmem:s12+$0x0]  }
0x12b: {  	s13 =	sor.u32 s7, s1;
	v0 =	vld [tilespmem:s6+$0x0]  }
0x12c: {  	s4 =	sor.u32 s22, s1;
	[tilespmem:s13+$0x0] =	vst.add.f32.msk $0xffff, v1  }
0x12d: {  	s15 =	sor.u32 $0x80, s13;
	[tilespmem:s4+$0x0] =	vst.add.f32.msk $0xffff, v2  }
0x12e: {  	s22 =	sor.u32 $0x80, s4;
	[tilespmem:s15+$0x0] =	vst.add.f32.msk $0xffff, v1  }
0x12f: {  	s16 =	sor.u32 $0x100, s13;
	[tilespmem:s22+$0x0] =	vst.add.f32.msk $0xffff, v2  }
0x130: {  	s23 =	sor.u32 $0x100, s4;
	[tilespmem:s16+$0x0] =	vst.add.f32.msk $0xffff, v1  }
0x131: {  	s15 =	sor.u32 s8, s1;
	[tilespmem:s23+$0x0] =	vst.add.f32.msk $0xffff, v2  }
0x132: {  	p1 =	por $0x0, $0x0;
	s9 =	simm.s32 $0x1;
	s1 =	sor.u32 s10, s1;
	[tilespmem:s15+$0x0] =	vst.add.f32.msk $0xffff, v3  }
0x133: {  	s6 =	sor.u32 $0x180, s13;
	s9 =	simm.s32 @!p1 $0x0;
	[tilespmem:s1+$0x0] =	vst.add.f32.msk $0xffff, v0  }
0x134: {  	s14 =	sshll.u32 s9, $0x6;
	s4 =	sor.u32 $0x180, s4;
	[tilespmem:s6+$0x0] =	vst.add.f32.msk $0xffff, v1  }
0x135: {  	s7 =	sadd.s32 $0x0, s14;
	s16 =	sor.u32 $0x80, s15;
	[tilespmem:s4+$0x0] =	vst.add.f32.msk $0xffff, v2  }
0x136: {  	s17 =	sadd.s32 $0x30, s7;
	s22 =	sor.u32 $0x80, s1;
	[tilespmem:s16+$0x0] =	vst.add.f32.msk $0xffff, v3  }
0x137: {  	s18 =	sor.u32 $0x200, s17;
	[tilespmem:s22+$0x0] =	vst.add.f32.msk $0xffff, v0  }
0x138: {  	s11 =	sor.u32 $0x200, s7;
	[tilespmem:s18+$0x14000] =	vst.add.f32.msk $0xffff, v1  }
0x139: {  	s8 =	sor.u32 $0x100, s15;
	[tilespmem:s11+$0x14000] =	vst.add.f32.msk $0xffff, v2  }
0x13a: {  	s23 =	sor.u32 $0x100, s1;
	[tilespmem:s8+$0x0] =	vst.add.f32.msk $0xffff, v3  }
0x13b: {  	s19 =	sor.u32 $0x280, s17;
	[tilespmem:s23+$0x0] =	vst.add.f32.msk $0xffff, v0  }
0x13c: {  	s12 =	sor.u32 $0x280, s7;
	[tilespmem:s19+$0x14000] =	vst.add.f32.msk $0xffff, v1  }
0x13d: {  	s6 =	sor.u32 $0x180, s15;
	[tilespmem:s12+$0x14000] =	vst.add.f32.msk $0xffff, v2  }
0x13e: {  	s1 =	sor.u32 $0x180, s1;
	[tilespmem:s6+$0x0] =	vst.add.f32.msk $0xffff, v3  }
0x13f: {  	s20 =	sor.u32 $0x300, s17;
	[tilespmem:s1+$0x0] =	vst.add.f32.msk $0xffff, v0  }
0x140: {  	s21 =	sor.u32 $0x380, s17;
	s13 =	sor.u32 $0x300, s7;
	s17 =	sadd.s32 $0x10, s7;
	[tilespmem:s20+$0x14000] =	vst.add.f32.msk $0xffff, v1  }
0x141: {  	s18 =	sor.u32 $0x200, s17;
	[tilespmem:s13+$0x14000] =	vst.add.f32.msk $0xffff, v2  }
0x142: {  	[tilespmem:s18+$0x14000] =	vst.add.f32.msk $0xffff, v3  }
0x143: {  	s14 =	sor.u32 $0x380, s7;
	[tilespmem:s21+$0x14000] =	vst.add.f32.msk $0xffff, v1  }
0x144: {  	s4 =	sor.u32 $0x380, s17;
	s19 =	sor.u32 $0x280, s17;
	[tilespmem:s14+$0x14000] =	vst.add.f32.msk $0xffff, v2  }
0x145: {  	s15 =	simm.s32 $0x40;
	s20 =	sor.u32 $0x300, s17;
	[tilespmem:s19+$0x14000] =	vst.add.f32.msk $0xffff, v3;
	s21 =	sadd.s32 $0x20, s7  }
0x146: {  	s8 =	simm.s32 $0x0;
	s6 =	simm.s32 $0x200;
	[tilespmem:s20+$0x14000] =	vst.add.f32.msk $0xffff, v3;
	s29 =	sor.u32 $0x200, s21  }
0x147: {  	s16 =	sor.u32 $0x280, s21;
	s28 =	sor.u32 $0x300, s21;
	s18 =	sor.u32 $0x380, s21;
	[tilespmem:s4+$0x14000] =	vst.add.f32.msk $0xffff, v3  }
.LBB2_9:
0x148: {  	s1 =	sand.u32 $0x40, s15;
	s4 =	sand.u32 $0x3C00, s6;
	[tilespmem:s29+$0x14000] =	vst.add.f32.msk $0xffff, v0  }
0x149: {  	s7 =	sadd.s32 s4, s0;
	s9 =	sor.u32 $0x10, s1;
	s10 =	sor.u32 $0x30, s1;
	[tilespmem:s16+$0x14000] =	vst.add.f32.msk $0xffff, v0  }
0x14a: {  	s12 =	sor.u32 $0x20, s1;
	s11 =	sadd.s32 s1, s7;
	s13 =	sadd.s32 s10, s7;
	[tilespmem:s28+$0x14000] =	vst.add.f32.msk $0xffff, v0  }
0x14b: {  	s14 =	sadd.s32 s9, s7;
	s7 =	sadd.s32 s12, s7;
	v1 =	vld [tilespmem:s13+$0x0]  }
0x14c: {  	v2 =	vld [tilespmem:s11+$0x0]  }
0x14d: {  	v3 =	vld [tilespmem:s14+$0x0]  }
0x14e: {  	p1 =	por !p1, !p1;
	s4 =	sor.u32 $0x14000, s4;
	v4 =	vld [tilespmem:s7+$0x0];
	s7 =	simm.s32 $0x1  }
0x14f: {  	s8 =	sadd.s32 $0x4, s8;
	s10 =	sor.u32 s10, s4;
	s7 =	simm.s32 @!p1 $0x0;
	[tilespmem:s18+$0x14000] =	vst.add.f32.msk $0xffff, v0  }
0x150: {  	p2 =	slt.u32 s8, $0x7C;
	s11 =	sor.u32 $0x80, s10;
	s7 =	sshll.u32 s7, $0x6;
	[tilespmem:s10+$0x0] =	vst.add.f32.msk $0xffff, v1  }
0x151: {  	s1 =	sor.u32 s1, s4;
	s7 =	sadd.s32 s7, s6;
	[tilespmem:s11+$0x0] =	vst.add.f32.msk $0xffff, v1;
	s11 =	sor.u32 $0x100, s10  }
0x152: {  	s10 =	sor.u32 $0x180, s10;
	s13 =	sadd.s32 $0x10, s7;
	[tilespmem:s11+$0x0] =	vst.add.f32.msk $0xffff, v1;
	s11 =	sadd.s32 $0x30, s7  }
0x153: {  	s9 =	sor.u32 s9, s4;
	s17 =	sadd.s32 $0x20, s7;
	[tilespmem:s10+$0x0] =	vst.add.f32.msk $0xffff, v1;
	s10 =	sor.u32 $0x200, s11;
	v0 =	vmov v4  }
0x154: {  	s14 =	sor.u32 s12, s4;
	s19 =	sor.u32 $0x200, s13;
	s4 =	sor.u32 $0x280, s11;
	[tilespmem:s10+$0x14000] =	vst.add.f32.msk $0xffff, v1  }
0x155: {  	s12 =	sor.u32 $0x300, s13;
	s10 =	sor.u32 $0x280, s13;
	[tilespmem:s4+$0x14000] =	vst.add.f32.msk $0xffff, v1;
	s4 =	sor.u32 $0x300, s11  }
0x156: {  	s29 =	sor.u32 $0x200, s17;
	s13 =	sor.u32 $0x380, s13;
	[tilespmem:s4+$0x14000] =	vst.add.f32.msk $0xffff, v1;
	s4 =	sor.u32 $0x380, s11  }
0x157: {  	s16 =	sor.u32 $0x280, s17;
	s28 =	sor.u32 $0x300, s17;
	s18 =	sor.u32 $0x380, s17;
	[tilespmem:s4+$0x14000] =	vst.add.f32.msk $0xffff, v1  }
0x158: {  	s11 =	sor.u32 $0x100, s1;
	s4 =	sor.u32 $0x80, s1;
	[tilespmem:s1+$0x0] =	vst.add.f32.msk $0xffff, v2;
	s1 =	sor.u32 $0x180, s1  }
0x159: {  	s20 =	sor.u32 $0x300, s7;
	s17 =	sor.u32 $0x280, s7;
	[tilespmem:s4+$0x0] =	vst.add.f32.msk $0xffff, v2;
	s4 =	sor.u32 $0x200, s7  }
0x15a: {  	s21 =	sor.u32 $0x100, s9;
	s7 =	sor.u32 $0x380, s7;
	[tilespmem:s11+$0x0] =	vst.add.f32.msk $0xffff, v2;
	s11 =	sor.u32 $0x80, s9  }
0x15b: {  	s22 =	sor.u32 $0x80, s14;
	s23 =	sor.u32 $0x100, s14;
	[tilespmem:s1+$0x0] =	vst.add.f32.msk $0xffff, v2;
	s1 =	sor.u32 $0x180, s9  }
0x15c: {  	[tilespmem:s4+$0x14000] =	vst.add.f32.msk $0xffff, v2;
	s4 =	sor.u32 $0x180, s14  }
0x15d: {  	[tilespmem:s17+$0x14000] =	vst.add.f32.msk $0xffff, v2  }
0x15e: {  	[tilespmem:s20+$0x14000] =	vst.add.f32.msk $0xffff, v2  }
0x15f: {  	[tilespmem:s7+$0x14000] =	vst.add.f32.msk $0xffff, v2  }
0x160: {  	[tilespmem:s9+$0x0] =	vst.add.f32.msk $0xffff, v3  }
0x161: {  	[tilespmem:s11+$0x0] =	vst.add.f32.msk $0xffff, v3  }
0x162: {  	[tilespmem:s21+$0x0] =	vst.add.f32.msk $0xffff, v3  }
0x163: {  	[tilespmem:s1+$0x0] =	vst.add.f32.msk $0xffff, v3  }
0x164: {  	[tilespmem:s19+$0x14000] =	vst.add.f32.msk $0xffff, v3  }
0x165: {  	[tilespmem:s10+$0x14000] =	vst.add.f32.msk $0xffff, v3  }
0x166: {  	[tilespmem:s12+$0x14000] =	vst.add.f32.msk $0xffff, v3  }
.Ltmp5:
0x167: {  	[tilespmem:s13+$0x14000] =	vst.add.f32.msk $0xffff, v3;
	(pc) =	sbr.rel @p2 .LBB2_9-.Ltmp5, $4  }
0x168: {  	[tilespmem:s14+$0x0] =	vst.add.f32.msk $0xffff, v0  }
0x169: {  	[tilespmem:s22+$0x0] =	vst.add.f32.msk $0xffff, v0  }
0x16a: {  	[tilespmem:s23+$0x0] =	vst.add.f32.msk $0xffff, v0  }
0x16b: {  	s15 =	sadd.s32 $0x40, s15;
	s6 =	sadd.s32 $0x200, s6;
	[tilespmem:s4+$0x0] =	vst.add.f32.msk $0xffff, v0  }
0x16c: {  	[tilespmem:s29+$0x14000] =	vst.add.f32.msk $0xffff, v0  }
0x16d: {  	[tilespmem:s16+$0x14000] =	vst.add.f32.msk $0xffff, v0  }
0x16e: {  	[tilespmem:s28+$0x14000] =	vst.add.f32.msk $0xffff, v0  }
.Ltmp6:
0x16f: {  	s0 =	sadd.s32 s30, s3;
	s1 =	simm.s32 $0x14000;
	[tilespmem:s18+$0x14000] =	vst.add.f32.msk $0xffff, v0;
	(pc) =	sbr.rel @p0 .LBB2_12-.Ltmp6, $4  }
0x170: {  	[hbm4b:s0+s5] =	stream.linear.scatter [tilespmem:s1], [sflag:$0x8], $0x4000, $0x38;
	[tilespmem:$0x18000] =	vst v63  }
0x171: {  	_ =	swait.ge [sflag:s26], $0x4000  }
0x172: {  	[sflag:s26] =	ssyncset.done $0x0  }
0x173: {  	[sflag:s26] =	ssyncadd.s32 $0xFFFFC000  }
.Ltmp7:
0x174: {  	(pc) =	sbr.rel .LBB2_2-.Ltmp7, $4  }
0x175: {  	_ = 	snop  }
0x176: {  	s0 =	rddreg [dreg:$0xc]  }
0x177: {  	s1 =	simm.s32 $0xC000;
	s31 =	sadd.s32 $0x1, s31;
	s0 =	sadd.s32 s2, s0  }
0x178: {  	[tilespmem:s1], [sflag:$0x2] =	stream.linear.gather [hbm4b:s0+s5], $0x4000, $0x38;
	[tilespmem:$0x18000] =	vst v63  }
.LBB2_13:
0x179: {  	_ =	sfence.sel $0x180000  }
0x17a: {  	[bflag:$0x0] =	sbarrier.arrive $0xFFFF  }
0x17b: {  	_ =	strace $0x90000047  }
0x17c: {  	s0 =	stileid.u32;
	[bflag:$0x2] =	sbarrier.arrive $0xFFFF  }
0x17d: {  	p0 =	sne.s32 s0, $0x0;
	s0 =	rddreg [dreg:$0x3]  }
0x17e: {  	s0 =	sadd.s32 @!p0 $0x100000, s0  }
0x17f: {  	[sflag:s0] =	ssyncadd.tile.s32 @!p0 $0x1;
	_ =	shalt  }
.Lfunc_end2:
_tile_overlayer_lowered:
.L_overlay_start_2:
0x180: {  	(tag) =	ssettag $0x2  }
0x181: {  	s0 =	rddreg [dreg:$0x0];
	s2 =	stileid.u32  }
0x182: {  	s1 =	rddreg [dreg:$0x1];
	p0 =	sne.s32 s2, $0x0  }
0x183: {  	s3 =	rddreg [dreg:$0x2];
	[bflag:$0x3] =	sbarrier.arrive $0xFFFF;
	s2 =	simm.s32 @!p0 $0x1C09  }
0x184: {  	[timem:s3], [sflag:s2] =	dma.local @!p0 [hbm:s0], s1  }
0x185: {  	s0 =	simm.s32 @!p0 $0x9  }
0x186: {  	_ =	swait.ge @!p0 [sflag:s0], s1  }
0x187: {  	s1 =	ssub.s32 @!p0 $0x0, s1;
	[sflag:s0] =	ssyncset.done @!p0 $0x0  }
0x188: {  	[sflag:s0] =	ssyncadd.s32 @!p0 s1  }
0x189: {  	[bflag:$0x3] =	sbarrier.arrive $0xFFFF  }
0x18a: {  	_ =	shalt  }

</sc_bundles>
